<compile_context>
chip_gen: v7x
topology: tpu7x:2x2x1
jax: 0.10.2.dev20260603
libtpu: 0.0.44.dev20260713+nightly
codegen_flags: <defaults>
</compile_context>

<pallas_src>
import functools
import jax
import jax.numpy as jnp
from jax import lax
from jax.experimental import pallas as pl
from jax.experimental.pallas import tpu as pltpu
from jax.experimental.pallas import tpu_sc as plsc

FN = 64
L = 64
RBLK = 256
NW = 32
CH = 128


def _tc_body(depth_ref, dens_ref, cdf_ref, a_ref, s_ref):
    R = depth_ref.shape[1]
    depth = depth_ref[...]
    dens = dens_ref[...]

    delta = jnp.concatenate(
        [depth[1:L] - depth[0:L - 1], jnp.full((1, R), 1e10, jnp.float32)], axis=0)
    neg_x = (-jnp.maximum(dens, 0.0)) * delta
    E = jnp.exp(neg_x)
    alpha = 1.0 - E
    terms = (1.0 - alpha) + 1e-10

    rows = [jnp.ones((1, R), jnp.float32)]
    for i in range(1, L):
        rows.append(rows[-1] * terms[i - 1:i])
    trans = jnp.concatenate(rows, axis=0)

    wp = alpha * trans + 1e-5

    P = wp[1:9]
    for k in range(1, 7):
        P = P + wp[1 + 8 * k: 9 + 8 * k]
    P = P + jnp.concatenate([wp[57:64], jnp.zeros((1, R), jnp.float32)], axis=0)
    W = (((P[0:1] + P[4:5]) + (P[2:3] + P[6:7]))
         + ((P[1:2] + P[5:6]) + (P[3:4] + P[7:8])))

    inv_w = 1.0 / W
    pdf = wp[1:L] * inv_w

    crows = [jnp.zeros((1, R), jnp.float32), pdf[0:1]]
    for i in range(1, L - 1):
        crows.append(crows[-1] + pdf[i:i + 1])
    cdf_s = jnp.concatenate(crows, axis=0)

    dn = cdf_s[1:L] - cdf_s[0:L - 1]
    dn = jnp.where(dn < 1e-5, jnp.ones_like(dn), dn)
    S_lv = (depth[1:L] - depth[0:L - 1]) / dn
    A_lv = depth[0:L - 1] - S_lv * cdf_s[0:L - 1]

    zrow = jnp.zeros((1, R), jnp.float32)
    cdf_ref[...] = cdf_s
    a_ref[...] = jnp.concatenate([A_lv, zrow], axis=0)
    s_ref[...] = jnp.concatenate([S_lv, zrow], axis=0)


def _tc_stage(depth_t, dens_t, n):
    grid = n // RBLK
    return pl.pallas_call(
        _tc_body,
        grid=(grid,),
        in_specs=[
            pl.BlockSpec((L, RBLK), lambda i: (0, i)),
            pl.BlockSpec((L, RBLK), lambda i: (0, i)),
        ],
        out_specs=[
            pl.BlockSpec((L, RBLK), lambda i: (0, i)),
            pl.BlockSpec((L, RBLK), lambda i: (0, i)),
            pl.BlockSpec((L, RBLK), lambda i: (0, i)),
        ],
        out_shape=[
            jax.ShapeDtypeStruct((L, n), jnp.float32),
            jax.ShapeDtypeStruct((L, n), jnp.float32),
            jax.ShapeDtypeStruct((L, n), jnp.float32),
        ],
        compiler_params=pltpu.CompilerParams(
            dimension_semantics=("arbitrary",),
        ),
    )(depth_t, dens_t)


_DG_DN = lax.GatherDimensionNumbers(
    offset_dims=(), collapsed_slice_dims=(0,), start_index_map=(0,))


def _dg(x, i):
    return lax.gather(x, i.reshape(16, 1), _DG_DN, (1,),
                      mode=lax.GatherScatterMode.PROMISE_IN_BOUNDS)


def _make_sc_stage(n):
    mesh = plsc.VectorSubcoreMesh(core_axis_name="c", subcore_axis_name="s")
    per_w = n // NW

    @functools.partial(
        pl.kernel, mesh=mesh,
        out_type=[
            jax.ShapeDtypeStruct((n * 64,), jnp.float32),
            jax.ShapeDtypeStruct((3 * n * 64,), jnp.float32),
        ],
        scratch_types=[
            pltpu.VMEM((64,), jnp.float32),
            pltpu.VMEM((CH * 64,), jnp.float32),
            pltpu.VMEM((CH * 64,), jnp.float32),
            pltpu.VMEM((CH * 64,), jnp.float32),
            pltpu.VMEM((CH * 6 + 16,), jnp.float32),
            pltpu.VMEM((CH * 64,), jnp.float32),
            pltpu.VMEM((3 * CH * 64,), jnp.float32),
        ],
    )
    def sc_stage(cdfs_hbm, alv_hbm, slv_hbm, rays_hbm, u_hbm,
                 t_hbm, fsp_hbm,
                 u_v, cdf_v, alv_v, slv_v, rays_v, t_v, fsp_v):
        wid = lax.axis_index("s") * 2 + lax.axis_index("c")
        base_ray = wid * per_w
        pltpu.sync_copy(u_hbm, u_v)

        @pl.loop(0, per_w // CH)
        def _chunk(ci):
            cbase = base_ray + ci * CH
            pltpu.sync_copy(cdfs_hbm.at[pl.ds(cbase * 64, CH * 64)], cdf_v)
            pltpu.sync_copy(alv_hbm.at[pl.ds(cbase * 64, CH * 64)], alv_v)
            pltpu.sync_copy(slv_hbm.at[pl.ds(cbase * 64, CH * 64)], slv_v)
            pltpu.sync_copy(rays_hbm.at[pl.ds(cbase * 6, CH * 6)],
                            rays_v.at[pl.ds(0, CH * 6)])

            @pl.loop(0, CH)
            def _ray(r):
                b = r * 64
                cks = [cdf_v[pl.ds(b + 16 * j, 16)] for j in range(4)]
                aks = [alv_v[pl.ds(b + 16 * j, 16)] for j in range(4)]
                sks = [slv_v[pl.ds(b + 16 * j, 16)] for j in range(4)]
                last = jnp.full((16,), 15, jnp.int32)
                c15 = _dg(cks[0], last)
                c31 = _dg(cks[1], last)
                c47 = _dg(cks[2], last)
                c63 = _dg(cks[3], last)

                rv = rays_v[pl.ds(r * 6, 16)]
                o0 = _dg(rv, jnp.full((16,), 0, jnp.int32))
                o1 = _dg(rv, jnp.full((16,), 1, jnp.int32))
                o2 = _dg(rv, jnp.full((16,), 2, jnp.int32))
                d0 = _dg(rv, jnp.full((16,), 3, jnp.int32))
                d1 = _dg(rv, jnp.full((16,), 4, jnp.int32))
                d2 = _dg(rv, jnp.full((16,), 5, jnp.int32))

                def val4(vregs, hi_, lo_):
                    gs = [_dg(v, lo_) for v in vregs]
                    return jnp.where(
                        hi_ == 0, gs[0],
                        jnp.where(hi_ == 1, gs[1],
                                  jnp.where(hi_ == 2, gs[2], gs[3])))

                for k in range(4):
                    uu = u_v[pl.ds(16 * k, 16)]
                    zero16 = jnp.zeros((16,), jnp.int32)
                    one16 = jnp.full((16,), 1, jnp.int32)
                    hi = (jnp.where(c15 < uu, one16, zero16)
                          + jnp.where(c31 < uu, one16, zero16)
                          + jnp.where(c47 < uu, one16, zero16))
                    lo = jnp.zeros((16,), jnp.int32)
                    for s in (8, 4, 2, 1):
                        g = val4(cks, hi, lo + (s - 1))
                        lo = jnp.where(g < uu, lo + s, lo)
                    pos = hi * 16 + lo
                    m64 = c63 < uu
                    lvl = jnp.maximum(pos, one16) - one16
                    idx = jnp.where(m64, zero16, lvl)
                    ihi = (jnp.where(idx >= 16, one16, zero16)
                           + jnp.where(idx >= 32, one16, zero16)
                           + jnp.where(idx >= 48, one16, zero16))
                    ilo = idx - ihi * 16
                    A = val4(aks, ihi, ilo)
                    S = val4(sks, ihi, ilo)
                    t = A + S * uu
                    t_v[pl.ds(b + 16 * k, 16)] = t
                    fsp_v[pl.ds(b + 16 * k, 16)] = t * d0 + o0
                    fsp_v[pl.ds(CH * 64 + b + 16 * k, 16)] = t * d1 + o1
                    fsp_v[pl.ds(2 * CH * 64 + b + 16 * k, 16)] = t * d2 + o2

            pltpu.sync_copy(t_v, t_hbm.at[pl.ds(cbase * 64, CH * 64)])
            for d in range(3):
                pltpu.sync_copy(
                    fsp_v.at[pl.ds(d * CH * 64, CH * 64)],
                    fsp_hbm.at[pl.ds(d * n * 64 + cbase * 64, CH * 64)])

    return sc_stage


def kernel(rays, depth, density):
    n = depth.shape[0]
    depth_t = depth[:, :, 0].T
    dens_t = density[:, :, 0].T
    cdf_t, a_t, s_t = _tc_stage(depth_t, dens_t, n)
    cdfs = cdf_t.T.reshape(-1)
    alv = a_t.T.reshape(-1)
    slv = s_t.T.reshape(-1)
    raysf = rays.reshape(-1)
    u = jnp.linspace(0.0, 1.0, FN, dtype=jnp.float32)
    tflat, fspflat = _make_sc_stage(n)(cdfs, alv, slv, raysf, u)
    fsp = jnp.transpose(fspflat.reshape(3, n, FN), (1, 2, 0))
    return (tflat.reshape(n, FN), fsp)

# --- scband reference (transcript-rebuilt; emitter-appended) ---
"""Pipeline reference for scband-ray-distributed-sample-point-34076270527092 (READ-ONLY COPY).

The authoritative reference and input builder live on the scoring server;
editing this copy changes nothing except your own understanding.
"""

import jax, jax.numpy as jnp
import numpy as np

FINE_NUM = 64


def setup_inputs(seed: int = 0) -> dict:
    key = jax.random.key(seed)
    k1, k2, k3 = jax.random.split(key, 3)
    N, L = 65536, 64
    rays = jax.random.normal(k1, (N, 6), dtype=jnp.float32)
    # depth must be monotonically increasing along the ray -> cumsum of positive deltas
    d = jax.random.uniform(k2, (N, L, 1), dtype=jnp.float32) * 0.1 + 0.01
    depth = jnp.cumsum(d, axis=1)
    density = jax.random.uniform(k3, (N, L, 1), dtype=jnp.float32) * 10.0
    return {"rays": rays, "depth": depth, "density": density}


def gen_weight(depth, density, noise=0.0):
    # standard NeRF volumetric weights: w_i = alpha_i * prod_{j<i}(1 - alpha_j)
    delta = depth[:, 1:] - depth[:, :-1]                     # N, L-1, 1
    delta = jnp.concatenate([delta, 1e10 * jnp.ones_like(delta[:, :1])], axis=1)  # N, L, 1
    alpha = 1.0 - jnp.exp(-jax.nn.relu(density) * delta)      # N, L, 1
    trans = jnp.cumprod(
        jnp.concatenate([jnp.ones_like(alpha[:, :1]), 1.0 - alpha + 1e-10], axis=1),
        axis=1,
    )[:, :-1]
    return alpha * trans                                      # N, L, 1


def reference(rays, depth, density):
    sample_num = FINE_NUM
    n = density.shape[0]
    weights = gen_weight(depth, density, noise=0.0)
    weights = weights + 1e-05
    bin_ = jnp.squeeze(depth, axis=-1)                        # N, L
    w = jnp.squeeze(weights[:, 1:], axis=-1)                  # N, L-1
    pdf = w / jnp.sum(w, axis=1, keepdims=True)
    cdf = jnp.cumsum(pdf, axis=1)                             # N, L-1
    cdf_s = jnp.concatenate([jnp.zeros((n, 1), dtype=cdf.dtype), cdf], axis=1)  # N, L
    fine_bin = jnp.tile(jnp.linspace(0.0, 1.0, sample_num, dtype=jnp.float32).reshape(1, sample_num), (n, 1))
    above_index = jnp.ones_like(fine_bin, dtype=jnp.int32)
    for i in range(cdf.shape[1]):
        mask = (fine_bin > cdf_s[:, i].reshape(n, 1)) & (fine_bin <= cdf[:, i].reshape(n, 1))
        above_index = jnp.where(mask, i + 1, above_index)
    below_index = above_index - 1
    below_index = jnp.where(below_index == -1, 0, below_index)
    sn_below = jnp.take_along_axis(bin_, below_index, axis=1)
    sn_above = jnp.take_along_axis(bin_, above_index, axis=1)
    cdf_below = jnp.take_along_axis(cdf_s, below_index, axis=1)
    cdf_above = jnp.take_along_axis(cdf_s, above_index, axis=1)
    dnorm = cdf_above - cdf_below
    dnorm = jnp.where(dnorm < 1e-05, jnp.ones_like(dnorm), dnorm)
    d = (fine_bin - cdf_below) / dnorm
    fine_t = (sn_above - sn_below) * d + sn_below             # N, S
    fine_sample_point = fine_t[..., None] * rays[:, 3:6][:, None, :] + rays[:, :3][:, None, :]  # N, S, 3
    return (fine_t, fine_sample_point)

if __name__ == "__main__":
    import jax
    _d = setup_inputs()
    print(jax.jit(kernel)(*tuple(_d.values())))

</pallas_src>

<mosaic_0001>
#map = affine_map<(d0, d1) -> (0)>
module attributes {stable_mosaic.version = 14 : i64} {
  func.func @sc_stage(%arg0: i32, %arg1: i32, %arg2: memref<4194304xf32, #tpu.memory_space<hbm>>, %arg3: memref<4194304xf32, #tpu.memory_space<hbm>>, %arg4: memref<4194304xf32, #tpu.memory_space<hbm>>, %arg5: memref<393216xf32, #tpu.memory_space<hbm>>, %arg6: memref<64xf32, #tpu.memory_space<hbm>>, %arg7: memref<4194304xf32, #tpu.memory_space<hbm>>, %arg8: memref<12582912xf32, #tpu.memory_space<hbm>>, %arg9: memref<64xf32, #tpu.memory_space<vmem>>, %arg10: memref<8192xf32, #tpu.memory_space<vmem>>, %arg11: memref<8192xf32, #tpu.memory_space<vmem>>, %arg12: memref<8192xf32, #tpu.memory_space<vmem>>, %arg13: memref<784xf32, #tpu.memory_space<vmem>>, %arg14: memref<8192xf32, #tpu.memory_space<vmem>>, %arg15: memref<24576xf32, #tpu.memory_space<vmem>>) attributes {dimension_semantics = [#tpu.dimension_semantics<core_parallel>, #tpu.dimension_semantics<subcore_parallel>], iteration_bounds = array<i64: 2, 16>, scalar_prefetch = 0 : i64, scratch_operands = 7 : i64, tpu.core_type = #tpu.core_type<sc_vector_subcore>, window_params = [{transform_indices = #map}, {transform_indices = #map}, {transform_indices = #map}, {transform_indices = #map}, {transform_indices = #map}, {transform_indices = #map}, {transform_indices = #map}]} {
    %mul3A = arith.constant 2 : i32
    %mul3A_0 = arith.muli %arg1, %mul3A : i32
    %add3A = arith.addi %mul3A_0, %arg0 : i32
    %mul3A_1 = arith.constant 2048 : i32
    %mul3A_2 = arith.muli %add3A, %mul3A_1 : i32
    "tpu.region"() ({
      %run_scoped3A = tpu.sem_alloc : memref<!tpu.dma_semaphore, #tpu.memory_space<semaphore_mem>>
      tpu.enqueue_dma source(%arg6 : memref<64xf32, #tpu.memory_space<hbm>>) target(%arg9 : memref<64xf32, #tpu.memory_space<vmem>>) target_semaphore(%run_scoped3A : memref<!tpu.dma_semaphore, #tpu.memory_space<semaphore_mem>>)
      tpu.wait_dma2 semaphore(%run_scoped3A : memref<!tpu.dma_semaphore, #tpu.memory_space<semaphore_mem>>) src(%arg6 : memref<64xf32, #tpu.memory_space<hbm>>) dst(%arg9 : memref<64xf32, #tpu.memory_space<vmem>>)
      tpu.yield
    }) : () -> ()
    %scan3A = arith.constant 0 : i32
    %scan3A_3 = arith.constant 16 : i32
    %scan3A_4 = arith.addi %scan3A, %scan3A_3 : i32
    %scan3A_5 = arith.constant 1 : i32
    scf.for %scan3A_7 = %scan3A to %scan3A_4 step %scan3A_5  : i32 {
      %mul3A_8 = arith.constant 1 : i32
      %mul3A_9 = arith.muli %scan3A_7, %mul3A_8 : i32
      %add3A_10 = arith.constant 0 : i32
      %add3A_11 = arith.addi %add3A_10, %mul3A_9 : i32
      %mul3A_12 = arith.constant 128 : i32
      %mul3A_13 = arith.muli %add3A_11, %mul3A_12 : i32
      %add3A_14 = arith.addi %mul3A_2, %mul3A_13 : i32
      %mul3A_15 = arith.constant 64 : i32
      %mul3A_16 = arith.muli %add3A_14, %mul3A_15 : i32
      "tpu.region"() ({
        %run_scoped3A = tpu.sem_alloc : memref<!tpu.dma_semaphore, #tpu.memory_space<semaphore_mem>>
        %dma_start3A = tpu.memref_slice %arg2[%mul3A_16] : memref<4194304xf32, #tpu.memory_space<hbm>> -> memref<8192xf32, #tpu.memory_space<hbm>>
        %dma_start3A_42 = tpu.memref_slice %arg2[%mul3A_16] : memref<4194304xf32, #tpu.memory_space<hbm>> -> memref<8192xf32, #tpu.memory_space<hbm>>
        tpu.enqueue_dma source(%dma_start3A_42 : memref<8192xf32, #tpu.memory_space<hbm>>) target(%arg10 : memref<8192xf32, #tpu.memory_space<vmem>>) target_semaphore(%run_scoped3A : memref<!tpu.dma_semaphore, #tpu.memory_space<semaphore_mem>>)
        %dma_wait3A = tpu.memref_slice %arg2[%mul3A_16] : memref<4194304xf32, #tpu.memory_space<hbm>> -> memref<8192xf32, #tpu.memory_space<hbm>>
        %dma_wait3A_43 = tpu.memref_slice %arg2[%mul3A_16] : memref<4194304xf32, #tpu.memory_space<hbm>> -> memref<8192xf32, #tpu.memory_space<hbm>>
        tpu.wait_dma2 semaphore(%run_scoped3A : memref<!tpu.dma_semaphore, #tpu.memory_space<semaphore_mem>>) src(%dma_wait3A_43 : memref<8192xf32, #tpu.memory_space<hbm>>) dst(%arg10 : memref<8192xf32, #tpu.memory_space<vmem>>)
        tpu.yield
      }) : () -> ()
      %mul3A_17 = arith.constant 64 : i32
      %mul3A_18 = arith.muli %add3A_14, %mul3A_17 : i32
      "tpu.region"() ({
        %run_scoped3A = tpu.sem_alloc : memref<!tpu.dma_semaphore, #tpu.memory_space<semaphore_mem>>
        %dma_start3A = tpu.memref_slice %arg3[%mul3A_18] : memref<4194304xf32, #tpu.memory_space<hbm>> -> memref<8192xf32, #tpu.memory_space<hbm>>
        %dma_start3A_42 = tpu.memref_slice %arg3[%mul3A_18] : memref<4194304xf32, #tpu.memory_space<hbm>> -> memref<8192xf32, #tpu.memory_space<hbm>>
        tpu.enqueue_dma source(%dma_start3A_42 : memref<8192xf32, #tpu.memory_space<hbm>>) target(%arg11 : memref<8192xf32, #tpu.memory_space<vmem>>) target_semaphore(%run_scoped3A : memref<!tpu.dma_semaphore, #tpu.memory_space<semaphore_mem>>)
        %dma_wait3A = tpu.memref_slice %arg3[%mul3A_18] : memref<4194304xf32, #tpu.memory_space<hbm>> -> memref<8192xf32, #tpu.memory_space<hbm>>
        %dma_wait3A_43 = tpu.memref_slice %arg3[%mul3A_18] : memref<4194304xf32, #tpu.memory_space<hbm>> -> memref<8192xf32, #tpu.memory_space<hbm>>
        tpu.wait_dma2 semaphore(%run_scoped3A : memref<!tpu.dma_semaphore, #tpu.memory_space<semaphore_mem>>) src(%dma_wait3A_43 : memref<8192xf32, #tpu.memory_space<hbm>>) dst(%arg11 : memref<8192xf32, #tpu.memory_space<vmem>>)
        tpu.yield
      }) : () -> ()
      %mul3A_19 = arith.constant 64 : i32
      %mul3A_20 = arith.muli %add3A_14, %mul3A_19 : i32
      "tpu.region"() ({
        %run_scoped3A = tpu.sem_alloc : memref<!tpu.dma_semaphore, #tpu.memory_space<semaphore_mem>>
        %dma_start3A = tpu.memref_slice %arg4[%mul3A_20] : memref<4194304xf32, #tpu.memory_space<hbm>> -> memref<8192xf32, #tpu.memory_space<hbm>>
        %dma_start3A_42 = tpu.memref_slice %arg4[%mul3A_20] : memref<4194304xf32, #tpu.memory_space<hbm>> -> memref<8192xf32, #tpu.memory_space<hbm>>
        tpu.enqueue_dma source(%dma_start3A_42 : memref<8192xf32, #tpu.memory_space<hbm>>) target(%arg12 : memref<8192xf32, #tpu.memory_space<vmem>>) target_semaphore(%run_scoped3A : memref<!tpu.dma_semaphore, #tpu.memory_space<semaphore_mem>>)
        %dma_wait3A = tpu.memref_slice %arg4[%mul3A_20] : memref<4194304xf32, #tpu.memory_space<hbm>> -> memref<8192xf32, #tpu.memory_space<hbm>>
        %dma_wait3A_43 = tpu.memref_slice %arg4[%mul3A_20] : memref<4194304xf32, #tpu.memory_space<hbm>> -> memref<8192xf32, #tpu.memory_space<hbm>>
        tpu.wait_dma2 semaphore(%run_scoped3A : memref<!tpu.dma_semaphore, #tpu.memory_space<semaphore_mem>>) src(%dma_wait3A_43 : memref<8192xf32, #tpu.memory_space<hbm>>) dst(%arg12 : memref<8192xf32, #tpu.memory_space<vmem>>)
        tpu.yield
      }) : () -> ()
      %mul3A_21 = arith.constant 6 : i32
      %mul3A_22 = arith.muli %add3A_14, %mul3A_21 : i32
      "tpu.region"() ({
        %run_scoped3A = tpu.sem_alloc : memref<!tpu.dma_semaphore, #tpu.memory_space<semaphore_mem>>
        %dma_start3A = arith.constant 0 : i32
        %dma_start3A_42 = tpu.memref_slice %arg13[%dma_start3A] : memref<784xf32, #tpu.memory_space<vmem>> -> memref<768xf32, #tpu.memory_space<vmem>>
        %dma_start3A_43 = tpu.memref_slice %arg5[%mul3A_22] : memref<393216xf32, #tpu.memory_space<hbm>> -> memref<768xf32, #tpu.memory_space<hbm>>
        %dma_start3A_44 = arith.constant 0 : i32
        %dma_start3A_45 = tpu.memref_slice %arg13[%dma_start3A_44] : memref<784xf32, #tpu.memory_space<vmem>> -> memref<768xf32, #tpu.memory_space<vmem>>
        %dma_start3A_46 = tpu.memref_slice %arg5[%mul3A_22] : memref<393216xf32, #tpu.memory_space<hbm>> -> memref<768xf32, #tpu.memory_space<hbm>>
        tpu.enqueue_dma source(%dma_start3A_46 : memref<768xf32, #tpu.memory_space<hbm>>) target(%dma_start3A_45 : memref<768xf32, #tpu.memory_space<vmem>>) target_semaphore(%run_scoped3A : memref<!tpu.dma_semaphore, #tpu.memory_space<semaphore_mem>>)
        %dma_wait3A = arith.constant 0 : i32
        %dma_wait3A_47 = tpu.memref_slice %arg13[%dma_wait3A] : memref<784xf32, #tpu.memory_space<vmem>> -> memref<768xf32, #tpu.memory_space<vmem>>
        %dma_wait3A_48 = tpu.memref_slice %arg5[%mul3A_22] : memref<393216xf32, #tpu.memory_space<hbm>> -> memref<768xf32, #tpu.memory_space<hbm>>
        %dma_wait3A_49 = arith.constant 0 : i32
        %dma_wait3A_50 = tpu.memref_slice %arg13[%dma_wait3A_49] : memref<784xf32, #tpu.memory_space<vmem>> -> memref<768xf32, #tpu.memory_space<vmem>>
        %dma_wait3A_51 = tpu.memref_slice %arg5[%mul3A_22] : memref<393216xf32, #tpu.memory_space<hbm>> -> memref<768xf32, #tpu.memory_space<hbm>>
        tpu.wait_dma2 semaphore(%run_scoped3A : memref<!tpu.dma_semaphore, #tpu.memory_space<semaphore_mem>>) src(%dma_wait3A_51 : memref<768xf32, #tpu.memory_space<hbm>>) dst(%dma_wait3A_50 : memref<768xf32, #tpu.memory_space<vmem>>)
        tpu.yield
      }) : () -> ()
      %scan3A_23 = arith.constant 0 : i32
      %scan3A_24 = arith.constant 128 : i32
      %scan3A_25 = arith.addi %scan3A_23, %scan3A_24 : i32
      %scan3A_26 = arith.constant 1 : i32
      scf.for %scan3A_42 = %scan3A_23 to %scan3A_25 step %scan3A_26  : i32 {
        %mul3A_43 = arith.constant 1 : i32
        %mul3A_44 = arith.muli %scan3A_42, %mul3A_43 : i32
        %add3A_45 = arith.constant 0 : i32
        %add3A_46 = arith.addi %add3A_45, %mul3A_44 : i32
        %mul3A_47 = arith.constant 64 : i32
        %mul3A_48 = arith.muli %add3A_46, %mul3A_47 : i32
        %add3A_49 = arith.constant 0 : i32
        %add3A_50 = arith.addi %mul3A_48, %add3A_49 : i32
        %get3A = arith.index_cast %add3A_50 : i32 to index
        %get3A_51 = tpu.vector_load %arg10[%get3A] {strides = array<i32>} : memref<8192xf32, #tpu.memory_space<vmem>>, vector<16xf32>,
        %get3A_52 = vector.shape_cast %get3A_51 : vector<16xf32> to vector<16xf32>
        %add3A_53 = arith.constant 16 : i32
        %add3A_54 = arith.addi %mul3A_48, %add3A_53 : i32
        %get3A_55 = arith.index_cast %add3A_54 : i32 to index
        %get3A_56 = tpu.vector_load %arg10[%get3A_55] {strides = array<i32>} : memref<8192xf32, #tpu.memory_space<vmem>>, vector<16xf32>,
        %get3A_57 = vector.shape_cast %get3A_56 : vector<16xf32> to vector<16xf32>
        %add3A_58 = arith.constant 32 : i32
        %add3A_59 = arith.addi %mul3A_48, %add3A_58 : i32
        %get3A_60 = arith.index_cast %add3A_59 : i32 to index
        %get3A_61 = tpu.vector_load %arg10[%get3A_60] {strides = array<i32>} : memref<8192xf32, #tpu.memory_space<vmem>>, vector<16xf32>,
        %get3A_62 = vector.shape_cast %get3A_61 : vector<16xf32> to vector<16xf32>
        %add3A_63 = arith.constant 48 : i32
        %add3A_64 = arith.addi %mul3A_48, %add3A_63 : i32
        %get3A_65 = arith.index_cast %add3A_64 : i32 to index
        %get3A_66 = tpu.vector_load %arg10[%get3A_65] {strides = array<i32>} : memref<8192xf32, #tpu.memory_space<vmem>>, vector<16xf32>,
        %get3A_67 = vector.shape_cast %get3A_66 : vector<16xf32> to vector<16xf32>
        %add3A_68 = arith.constant 0 : i32
        %add3A_69 = arith.addi %mul3A_48, %add3A_68 : i32
        %get3A_70 = arith.index_cast %add3A_69 : i32 to index
        %get3A_71 = tpu.vector_load %arg11[%get3A_70] {strides = array<i32>} : memref<8192xf32, #tpu.memory_space<vmem>>, vector<16xf32>,
        %get3A_72 = vector.shape_cast %get3A_71 : vector<16xf32> to vector<16xf32>
        %add3A_73 = arith.constant 16 : i32
        %add3A_74 = arith.addi %mul3A_48, %add3A_73 : i32
        %get3A_75 = arith.index_cast %add3A_74 : i32 to index
        %get3A_76 = tpu.vector_load %arg11[%get3A_75] {strides = array<i32>} : memref<8192xf32, #tpu.memory_space<vmem>>, vector<16xf32>,
        %get3A_77 = vector.shape_cast %get3A_76 : vector<16xf32> to vector<16xf32>
        %add3A_78 = arith.constant 32 : i32
        %add3A_79 = arith.addi %mul3A_48, %add3A_78 : i32
        %get3A_80 = arith.index_cast %add3A_79 : i32 to index
        %get3A_81 = tpu.vector_load %arg11[%get3A_80] {strides = array<i32>} : memref<8192xf32, #tpu.memory_space<vmem>>, vector<16xf32>,
        %get3A_82 = vector.shape_cast %get3A_81 : vector<16xf32> to vector<16xf32>
        %add3A_83 = arith.constant 48 : i32
        %add3A_84 = arith.addi %mul3A_48, %add3A_83 : i32
        %get3A_85 = arith.index_cast %add3A_84 : i32 to index
        %get3A_86 = tpu.vector_load %arg11[%get3A_85] {strides = array<i32>} : memref<8192xf32, #tpu.memory_space<vmem>>, vector<16xf32>,
        %get3A_87 = vector.shape_cast %get3A_86 : vector<16xf32> to vector<16xf32>
        %add3A_88 = arith.constant 0 : i32
        %add3A_89 = arith.addi %mul3A_48, %add3A_88 : i32
        %get3A_90 = arith.index_cast %add3A_89 : i32 to index
        %get3A_91 = tpu.vector_load %arg12[%get3A_90] {strides = array<i32>} : memref<8192xf32, #tpu.memory_space<vmem>>, vector<16xf32>,
        %get3A_92 = vector.shape_cast %get3A_91 : vector<16xf32> to vector<16xf32>
        %add3A_93 = arith.constant 16 : i32
        %add3A_94 = arith.addi %mul3A_48, %add3A_93 : i32
        %get3A_95 = arith.index_cast %add3A_94 : i32 to index
        %get3A_96 = tpu.vector_load %arg12[%get3A_95] {strides = array<i32>} : memref<8192xf32, #tpu.memory_space<vmem>>, vector<16xf32>,
        %get3A_97 = vector.shape_cast %get3A_96 : vector<16xf32> to vector<16xf32>
        %add3A_98 = arith.constant 32 : i32
        %add3A_99 = arith.addi %mul3A_48, %add3A_98 : i32
        %get3A_100 = arith.index_cast %add3A_99 : i32 to index
        %get3A_101 = tpu.vector_load %arg12[%get3A_100] {strides = array<i32>} : memref<8192xf32, #tpu.memory_space<vmem>>, vector<16xf32>,
        %get3A_102 = vector.shape_cast %get3A_101 : vector<16xf32> to vector<16xf32>
        %add3A_103 = arith.constant 48 : i32
        %add3A_104 = arith.addi %mul3A_48, %add3A_103 : i32
        %get3A_105 = arith.index_cast %add3A_104 : i32 to index
        %get3A_106 = tpu.vector_load %arg12[%get3A_105] {strides = array<i32>} : memref<8192xf32, #tpu.memory_space<vmem>>, vector<16xf32>,
        %get3A_107 = vector.shape_cast %get3A_106 : vector<16xf32> to vector<16xf32>
        %broadcast_in_dim3A = arith.constant 15 : i32
        %broadcast_in_dim3A_108 = vector.broadcast %broadcast_in_dim3A : i32 to vector<16xi32>
        %reshape3A = vector.shape_cast %broadcast_in_dim3A_108 : vector<16xi32> to vector<16x1xi32>
        %gather3A = vector.shape_cast %reshape3A : vector<16x1xi32> to vector<16xi32>
        %gather3A_109 = tpu.dynamic_gather %get3A_52[%gather3A] in [0] : vector<16xf32>, vector<16xi32> -> vector<16xf32>
        %reshape3A_110 = vector.shape_cast %broadcast_in_dim3A_108 : vector<16xi32> to vector<16x1xi32>
        %gather3A_111 = vector.shape_cast %reshape3A_110 : vector<16x1xi32> to vector<16xi32>
        %gather3A_112 = tpu.dynamic_gather %get3A_57[%gather3A_111] in [0] : vector<16xf32>, vector<16xi32> -> vector<16xf32>
        %reshape3A_113 = vector.shape_cast %broadcast_in_dim3A_108 : vector<16xi32> to vector<16x1xi32>
        %gather3A_114 = vector.shape_cast %reshape3A_113 : vector<16x1xi32> to vector<16xi32>
        %gather3A_115 = tpu.dynamic_gather %get3A_62[%gather3A_114] in [0] : vector<16xf32>, vector<16xi32> -> vector<16xf32>
        %reshape3A_116 = vector.shape_cast %broadcast_in_dim3A_108 : vector<16xi32> to vector<16x1xi32>
        %gather3A_117 = vector.shape_cast %reshape3A_116 : vector<16x1xi32> to vector<16xi32>
        %gather3A_118 = tpu.dynamic_gather %get3A_67[%gather3A_117] in [0] : vector<16xf32>, vector<16xi32> -> vector<16xf32>
        %mul3A_119 = arith.constant 6 : i32
        %mul3A_120 = arith.muli %add3A_46, %mul3A_119 : i32
        %get3A_121 = arith.index_cast %mul3A_120 : i32 to index
        %get3A_122 = tpu.vector_load %arg13[%get3A_121] {strides = array<i32>} : memref<784xf32, #tpu.memory_space<vmem>>, vector<16xf32>,
        %get3A_123 = vector.shape_cast %get3A_122 : vector<16xf32> to vector<16xf32>
        %broadcast_in_dim3A_124 = arith.constant 0 : i32
        %broadcast_in_dim3A_125 = vector.broadcast %broadcast_in_dim3A_124 : i32 to vector<16xi32>
        %reshape3A_126 = vector.shape_cast %broadcast_in_dim3A_125 : vector<16xi32> to vector<16x1xi32>
        %gather3A_127 = vector.shape_cast %reshape3A_126 : vector<16x1xi32> to vector<16xi32>
        %gather3A_128 = tpu.dynamic_gather %get3A_123[%gather3A_127] in [0] : vector<16xf32>, vector<16xi32> -> vector<16xf32>
        %broadcast_in_dim3A_129 = arith.constant 1 : i32
        %broadcast_in_dim3A_130 = vector.broadcast %broadcast_in_dim3A_129 : i32 to vector<16xi32>
        %reshape3A_131 = vector.shape_cast %broadcast_in_dim3A_130 : vector<16xi32> to vector<16x1xi32>
        %gather3A_132 = vector.shape_cast %reshape3A_131 : vector<16x1xi32> to vector<16xi32>
        %gather3A_133 = tpu.dynamic_gather %get3A_123[%gather3A_132] in [0] : vector<16xf32>, vector<16xi32> -> vector<16xf32>
        %broadcast_in_dim3A_134 = arith.constant 2 : i32
        %broadcast_in_dim3A_135 = vector.broadcast %broadcast_in_dim3A_134 : i32 to vector<16xi32>
        %reshape3A_136 = vector.shape_cast %broadcast_in_dim3A_135 : vector<16xi32> to vector<16x1xi32>
        %gather3A_137 = vector.shape_cast %reshape3A_136 : vector<16x1xi32> to vector<16xi32>
        %gather3A_138 = tpu.dynamic_gather %get3A_123[%gather3A_137] in [0] : vector<16xf32>, vector<16xi32> -> vector<16xf32>
        %broadcast_in_dim3A_139 = arith.constant 3 : i32
        %broadcast_in_dim3A_140 = vector.broadcast %broadcast_in_dim3A_139 : i32 to vector<16xi32>
        %reshape3A_141 = vector.shape_cast %broadcast_in_dim3A_140 : vector<16xi32> to vector<16x1xi32>
        %gather3A_142 = vector.shape_cast %reshape3A_141 : vector<16x1xi32> to vector<16xi32>
        %gather3A_143 = tpu.dynamic_gather %get3A_123[%gather3A_142] in [0] : vector<16xf32>, vector<16xi32> -> vector<16xf32>
        %broadcast_in_dim3A_144 = arith.constant 4 : i32
        %broadcast_in_dim3A_145 = vector.broadcast %broadcast_in_dim3A_144 : i32 to vector<16xi32>
        %reshape3A_146 = vector.shape_cast %broadcast_in_dim3A_145 : vector<16xi32> to vector<16x1xi32>
        %gather3A_147 = vector.shape_cast %reshape3A_146 : vector<16x1xi32> to vector<16xi32>
        %gather3A_148 = tpu.dynamic_gather %get3A_123[%gather3A_147] in [0] : vector<16xf32>, vector<16xi32> -> vector<16xf32>
        %broadcast_in_dim3A_149 = arith.constant 5 : i32
        %broadcast_in_dim3A_150 = vector.broadcast %broadcast_in_dim3A_149 : i32 to vector<16xi32>
        %reshape3A_151 = vector.shape_cast %broadcast_in_dim3A_150 : vector<16xi32> to vector<16x1xi32>
        %gather3A_152 = vector.shape_cast %reshape3A_151 : vector<16x1xi32> to vector<16xi32>
        %gather3A_153 = tpu.dynamic_gather %get3A_123[%gather3A_152] in [0] : vector<16xf32>, vector<16xi32> -> vector<16xf32>
        %get3A_154 = arith.constant 0 : index
        %get3A_155 = tpu.vector_load %arg9[%get3A_154] {strides = array<i32>} : memref<64xf32, #tpu.memory_space<vmem>>, vector<16xf32>,
        %get3A_156 = vector.shape_cast %get3A_155 : vector<16xf32> to vector<16xf32>
        %broadcast_in_dim3A_157 = arith.constant 0 : i32
        %broadcast_in_dim3A_158 = vector.broadcast %broadcast_in_dim3A_157 : i32 to vector<16xi32>
        %broadcast_in_dim3A_159 = arith.constant 1 : i32
        %broadcast_in_dim3A_160 = vector.broadcast %broadcast_in_dim3A_159 : i32 to vector<16xi32>
        %lt3A = arith.cmpf olt, %gather3A_109, %get3A_156 : vector<16xf32>
        %select_n3A = arith.select %lt3A, %broadcast_in_dim3A_160, %broadcast_in_dim3A_158 : vector<16xi1>, vector<16xi32>
        %lt3A_161 = arith.cmpf olt, %gather3A_112, %get3A_156 : vector<16xf32>
        %select_n3A_162 = arith.select %lt3A_161, %broadcast_in_dim3A_160, %broadcast_in_dim3A_158 : vector<16xi1>, vector<16xi32>
        %add3A_163 = arith.addi %select_n3A, %select_n3A_162 : vector<16xi32>
        %lt3A_164 = arith.cmpf olt, %gather3A_115, %get3A_156 : vector<16xf32>
        %select_n3A_165 = arith.select %lt3A_164, %broadcast_in_dim3A_160, %broadcast_in_dim3A_158 : vector<16xi1>, vector<16xi32>
        %add3A_166 = arith.addi %add3A_163, %select_n3A_165 : vector<16xi32>
        %broadcast_in_dim3A_167 = arith.constant 0 : i32
        %broadcast_in_dim3A_168 = vector.broadcast %broadcast_in_dim3A_167 : i32 to vector<16xi32>
        %add3A_169 = arith.constant 7 : i32
        %add3A_170 = vector.broadcast %add3A_169 : i32 to vector<16xi32>
        %add3A_171 = arith.addi %broadcast_in_dim3A_168, %add3A_170 : vector<16xi32>
        %reshape3A_172 = vector.shape_cast %add3A_171 : vector<16xi32> to vector<16x1xi32>
        %gather3A_173 = vector.shape_cast %reshape3A_172 : vector<16x1xi32> to vector<16xi32>
        %gather3A_174 = tpu.dynamic_gather %get3A_52[%gather3A_173] in [0] : vector<16xf32>, vector<16xi32> -> vector<16xf32>
        %reshape3A_175 = vector.shape_cast %add3A_171 : vector<16xi32> to vector<16x1xi32>
        %gather3A_176 = vector.shape_cast %reshape3A_175 : vector<16x1xi32> to vector<16xi32>
        %gather3A_177 = tpu.dynamic_gather %get3A_57[%gather3A_176] in [0] : vector<16xf32>, vector<16xi32> -> vector<16xf32>
        %reshape3A_178 = vector.shape_cast %add3A_171 : vector<16xi32> to vector<16x1xi32>
        %gather3A_179 = vector.shape_cast %reshape3A_178 : vector<16x1xi32> to vector<16xi32>
        %gather3A_180 = tpu.dynamic_gather %get3A_62[%gather3A_179] in [0] : vector<16xf32>, vector<16xi32> -> vector<16xf32>
        %reshape3A_181 = vector.shape_cast %add3A_171 : vector<16xi32> to vector<16x1xi32>
        %gather3A_182 = vector.shape_cast %reshape3A_181 : vector<16x1xi32> to vector<16xi32>
        %gather3A_183 = tpu.dynamic_gather %get3A_67[%gather3A_182] in [0] : vector<16xf32>, vector<16xi32> -> vector<16xf32>
        %eq3A = arith.constant 0 : i32
        %eq3A_184 = vector.broadcast %eq3A : i32 to vector<16xi32>
        %eq3A_185 = arith.cmpi eq, %add3A_166, %eq3A_184 : vector<16xi32>
        %eq3A_186 = arith.constant 1 : i32
        %eq3A_187 = vector.broadcast %eq3A_186 : i32 to vector<16xi32>
        %eq3A_188 = arith.cmpi eq, %add3A_166, %eq3A_187 : vector<16xi32>
        %eq3A_189 = arith.constant 2 : i32
        %eq3A_190 = vector.broadcast %eq3A_189 : i32 to vector<16xi32>
        %eq3A_191 = arith.cmpi eq, %add3A_166, %eq3A_190 : vector<16xi32>
        %select_n3A_192 = arith.select %eq3A_191, %gather3A_180, %gather3A_183 : vector<16xi1>, vector<16xf32>
        %select_n3A_193 = arith.select %eq3A_188, %gather3A_177, %select_n3A_192 : vector<16xi1>, vector<16xf32>
        %select_n3A_194 = arith.select %eq3A_185, %gather3A_174, %select_n3A_193 : vector<16xi1>, vector<16xf32>
        %lt3A_195 = arith.cmpf olt, %select_n3A_194, %get3A_156 : vector<16xf32>
        %add3A_196 = arith.constant 8 : i32
        %add3A_197 = vector.broadcast %add3A_196 : i32 to vector<16xi32>
        %add3A_198 = arith.addi %broadcast_in_dim3A_168, %add3A_197 : vector<16xi32>
        %select_n3A_199 = arith.select %lt3A_195, %add3A_198, %broadcast_in_dim3A_168 : vector<16xi1>, vector<16xi32>
        %add3A_200 = arith.constant 3 : i32
        %add3A_201 = vector.broadcast %add3A_200 : i32 to vector<16xi32>
        %add3A_202 = arith.addi %select_n3A_199, %add3A_201 : vector<16xi32>
        %reshape3A_203 = vector.shape_cast %add3A_202 : vector<16xi32> to vector<16x1xi32>
        %gather3A_204 = vector.shape_cast %reshape3A_203 : vector<16x1xi32> to vector<16xi32>
        %gather3A_205 = tpu.dynamic_gather %get3A_52[%gather3A_204] in [0] : vector<16xf32>, vector<16xi32> -> vector<16xf32>
        %reshape3A_206 = vector.shape_cast %add3A_202 : vector<16xi32> to vector<16x1xi32>
        %gather3A_207 = vector.shape_cast %reshape3A_206 : vector<16x1xi32> to vector<16xi32>
        %gather3A_208 = tpu.dynamic_gather %get3A_57[%gather3A_207] in [0] : vector<16xf32>, vector<16xi32> -> vector<16xf32>
        %reshape3A_209 = vector.shape_cast %add3A_202 : vector<16xi32> to vector<16x1xi32>
        %gather3A_210 = vector.shape_cast %reshape3A_209 : vector<16x1xi32> to vector<16xi32>
        %gather3A_211 = tpu.dynamic_gather %get3A_62[%gather3A_210] in [0] : vector<16xf32>, vector<16xi32> -> vector<16xf32>
        %reshape3A_212 = vector.shape_cast %add3A_202 : vector<16xi32> to vector<16x1xi32>
        %gather3A_213 = vector.shape_cast %reshape3A_212 : vector<16x1xi32> to vector<16xi32>
        %gather3A_214 = tpu.dynamic_gather %get3A_67[%gather3A_213] in [0] : vector<16xf32>, vector<16xi32> -> vector<16xf32>
        %eq3A_215 = arith.constant 0 : i32
        %eq3A_216 = vector.broadcast %eq3A_215 : i32 to vector<16xi32>
        %eq3A_217 = arith.cmpi eq, %add3A_166, %eq3A_216 : vector<16xi32>
        %eq3A_218 = arith.constant 1 : i32
        %eq3A_219 = vector.broadcast %eq3A_218 : i32 to vector<16xi32>
        %eq3A_220 = arith.cmpi eq, %add3A_166, %eq3A_219 : vector<16xi32>
        %eq3A_221 = arith.constant 2 : i32
        %eq3A_222 = vector.broadcast %eq3A_221 : i32 to vector<16xi32>
        %eq3A_223 = arith.cmpi eq, %add3A_166, %eq3A_222 : vector<16xi32>
        %select_n3A_224 = arith.select %eq3A_223, %gather3A_211, %gather3A_214 : vector<16xi1>, vector<16xf32>
        %select_n3A_225 = arith.select %eq3A_220, %gather3A_208, %select_n3A_224 : vector<16xi1>, vector<16xf32>
        %select_n3A_226 = arith.select %eq3A_217, %gather3A_205, %select_n3A_225 : vector<16xi1>, vector<16xf32>
        %lt3A_227 = arith.cmpf olt, %select_n3A_226, %get3A_156 : vector<16xf32>
        %add3A_228 = arith.constant 4 : i32
        %add3A_229 = vector.broadcast %add3A_228 : i32 to vector<16xi32>
        %add3A_230 = arith.addi %select_n3A_199, %add3A_229 : vector<16xi32>
        %select_n3A_231 = arith.select %lt3A_227, %add3A_230, %select_n3A_199 : vector<16xi1>, vector<16xi32>
        %add3A_232 = arith.constant 1 : i32
        %add3A_233 = vector.broadcast %add3A_232 : i32 to vector<16xi32>
        %add3A_234 = arith.addi %select_n3A_231, %add3A_233 : vector<16xi32>
        %reshape3A_235 = vector.shape_cast %add3A_234 : vector<16xi32> to vector<16x1xi32>
        %gather3A_236 = vector.shape_cast %reshape3A_235 : vector<16x1xi32> to vector<16xi32>
        %gather3A_237 = tpu.dynamic_gather %get3A_52[%gather3A_236] in [0] : vector<16xf32>, vector<16xi32> -> vector<16xf32>
        %reshape3A_238 = vector.shape_cast %add3A_234 : vector<16xi32> to vector<16x1xi32>
        %gather3A_239 = vector.shape_cast %reshape3A_238 : vector<16x1xi32> to vector<16xi32>
        %gather3A_240 = tpu.dynamic_gather %get3A_57[%gather3A_239] in [0] : vector<16xf32>, vector<16xi32> -> vector<16xf32>
        %reshape3A_241 = vector.shape_cast %add3A_234 : vector<16xi32> to vector<16x1xi32>
        %gather3A_242 = vector.shape_cast %reshape3A_241 : vector<16x1xi32> to vector<16xi32>
        %gather3A_243 = tpu.dynamic_gather %get3A_62[%gather3A_242] in [0] : vector<16xf32>, vector<16xi32> -> vector<16xf32>
        %reshape3A_244 = vector.shape_cast %add3A_234 : vector<16xi32> to vector<16x1xi32>
        %gather3A_245 = vector.shape_cast %reshape3A_244 : vector<16x1xi32> to vector<16xi32>
        %gather3A_246 = tpu.dynamic_gather %get3A_67[%gather3A_245] in [0] : vector<16xf32>, vector<16xi32> -> vector<16xf32>
        %eq3A_247 = arith.constant 0 : i32
        %eq3A_248 = vector.broadcast %eq3A_247 : i32 to vector<16xi32>
        %eq3A_249 = arith.cmpi eq, %add3A_166, %eq3A_248 : vector<16xi32>
        %eq3A_250 = arith.constant 1 : i32
        %eq3A_251 = vector.broadcast %eq3A_250 : i32 to vector<16xi32>
        %eq3A_252 = arith.cmpi eq, %add3A_166, %eq3A_251 : vector<16xi32>
        %eq3A_253 = arith.constant 2 : i32
        %eq3A_254 = vector.broadcast %eq3A_253 : i32 to vector<16xi32>
        %eq3A_255 = arith.cmpi eq, %add3A_166, %eq3A_254 : vector<16xi32>
        %select_n3A_256 = arith.select %eq3A_255, %gather3A_243, %gather3A_246 : vector<16xi1>, vector<16xf32>
        %select_n3A_257 = arith.select %eq3A_252, %gather3A_240, %select_n3A_256 : vector<16xi1>, vector<16xf32>
        %select_n3A_258 = arith.select %eq3A_249, %gather3A_237, %select_n3A_257 : vector<16xi1>, vector<16xf32>
        %lt3A_259 = arith.cmpf olt, %select_n3A_258, %get3A_156 : vector<16xf32>
        %add3A_260 = arith.constant 2 : i32
        %add3A_261 = vector.broadcast %add3A_260 : i32 to vector<16xi32>
        %add3A_262 = arith.addi %select_n3A_231, %add3A_261 : vector<16xi32>
        %select_n3A_263 = arith.select %lt3A_259, %add3A_262, %select_n3A_231 : vector<16xi1>, vector<16xi32>
        %add3A_264 = arith.constant 0 : i32
        %add3A_265 = vector.broadcast %add3A_264 : i32 to vector<16xi32>
        %add3A_266 = arith.addi %select_n3A_263, %add3A_265 : vector<16xi32>
        %reshape3A_267 = vector.shape_cast %add3A_266 : vector<16xi32> to vector<16x1xi32>
        %gather3A_268 = vector.shape_cast %reshape3A_267 : vector<16x1xi32> to vector<16xi32>
        %gather3A_269 = tpu.dynamic_gather %get3A_52[%gather3A_268] in [0] : vector<16xf32>, vector<16xi32> -> vector<16xf32>
        %reshape3A_270 = vector.shape_cast %add3A_266 : vector<16xi32> to vector<16x1xi32>
        %gather3A_271 = vector.shape_cast %reshape3A_270 : vector<16x1xi32> to vector<16xi32>
        %gather3A_272 = tpu.dynamic_gather %get3A_57[%gather3A_271] in [0] : vector<16xf32>, vector<16xi32> -> vector<16xf32>
        %reshape3A_273 = vector.shape_cast %add3A_266 : vector<16xi32> to vector<16x1xi32>
        %gather3A_274 = vector.shape_cast %reshape3A_273 : vector<16x1xi32> to vector<16xi32>
        %gather3A_275 = tpu.dynamic_gather %get3A_62[%gather3A_274] in [0] : vector<16xf32>, vector<16xi32> -> vector<16xf32>
        %reshape3A_276 = vector.shape_cast %add3A_266 : vector<16xi32> to vector<16x1xi32>
        %gather3A_277 = vector.shape_cast %reshape3A_276 : vector<16x1xi32> to vector<16xi32>
        %gather3A_278 = tpu.dynamic_gather %get3A_67[%gather3A_277] in [0] : vector<16xf32>, vector<16xi32> -> vector<16xf32>
        %eq3A_279 = arith.constant 0 : i32
        %eq3A_280 = vector.broadcast %eq3A_279 : i32 to vector<16xi32>
        %eq3A_281 = arith.cmpi eq, %add3A_166, %eq3A_280 : vector<16xi32>
        %eq3A_282 = arith.constant 1 : i32
        %eq3A_283 = vector.broadcast %eq3A_282 : i32 to vector<16xi32>
        %eq3A_284 = arith.cmpi eq, %add3A_166, %eq3A_283 : vector<16xi32>
        %eq3A_285 = arith.constant 2 : i32
        %eq3A_286 = vector.broadcast %eq3A_285 : i32 to vector<16xi32>
        %eq3A_287 = arith.cmpi eq, %add3A_166, %eq3A_286 : vector<16xi32>
        %select_n3A_288 = arith.select %eq3A_287, %gather3A_275, %gather3A_278 : vector<16xi1>, vector<16xf32>
        %select_n3A_289 = arith.select %eq3A_284, %gather3A_272, %select_n3A_288 : vector<16xi1>, vector<16xf32>
        %select_n3A_290 = arith.select %eq3A_281, %gather3A_269, %select_n3A_289 : vector<16xi1>, vector<16xf32>
        %lt3A_291 = arith.cmpf olt, %select_n3A_290, %get3A_156 : vector<16xf32>
        %add3A_292 = arith.constant 1 : i32
        %add3A_293 = vector.broadcast %add3A_292 : i32 to vector<16xi32>
        %add3A_294 = arith.addi %select_n3A_263, %add3A_293 : vector<16xi32>
        %select_n3A_295 = arith.select %lt3A_291, %add3A_294, %select_n3A_263 : vector<16xi1>, vector<16xi32>
        %mul3A_296 = arith.constant 16 : i32
        %mul3A_297 = vector.broadcast %mul3A_296 : i32 to vector<16xi32>
        %mul3A_298 = arith.muli %add3A_166, %mul3A_297 : vector<16xi32>
        %add3A_299 = arith.addi %mul3A_298, %select_n3A_295 : vector<16xi32>
        %lt3A_300 = arith.cmpf olt, %gather3A_118, %get3A_156 : vector<16xf32>
        %max3A = arith.maxsi %add3A_299, %broadcast_in_dim3A_160 : vector<16xi32>
        %sub3A = arith.subi %max3A, %broadcast_in_dim3A_160 : vector<16xi32>
        %select_n3A_301 = arith.select %lt3A_300, %broadcast_in_dim3A_158, %sub3A : vector<16xi1>, vector<16xi32>
        %ge3A = arith.constant 16 : i32
        %ge3A_302 = vector.broadcast %ge3A : i32 to vector<16xi32>
        %ge3A_303 = arith.cmpi sge, %select_n3A_301, %ge3A_302 : vector<16xi32>
        %select_n3A_304 = arith.select %ge3A_303, %broadcast_in_dim3A_160, %broadcast_in_dim3A_158 : vector<16xi1>, vector<16xi32>
        %ge3A_305 = arith.constant 32 : i32
        %ge3A_306 = vector.broadcast %ge3A_305 : i32 to vector<16xi32>
        %ge3A_307 = arith.cmpi sge, %select_n3A_301, %ge3A_306 : vector<16xi32>
        %select_n3A_308 = arith.select %ge3A_307, %broadcast_in_dim3A_160, %broadcast_in_dim3A_158 : vector<16xi1>, vector<16xi32>
        %add3A_309 = arith.addi %select_n3A_304, %select_n3A_308 : vector<16xi32>
        %ge3A_310 = arith.constant 48 : i32
        %ge3A_311 = vector.broadcast %ge3A_310 : i32 to vector<16xi32>
        %ge3A_312 = arith.cmpi sge, %select_n3A_301, %ge3A_311 : vector<16xi32>
        %select_n3A_313 = arith.select %ge3A_312, %broadcast_in_dim3A_160, %broadcast_in_dim3A_158 : vector<16xi1>, vector<16xi32>
        %add3A_314 = arith.addi %add3A_309, %select_n3A_313 : vector<16xi32>
        %mul3A_315 = arith.constant 16 : i32
        %mul3A_316 = vector.broadcast %mul3A_315 : i32 to vector<16xi32>
        %mul3A_317 = arith.muli %add3A_314, %mul3A_316 : vector<16xi32>
        %sub3A_318 = arith.subi %select_n3A_301, %mul3A_317 : vector<16xi32>
        %reshape3A_319 = vector.shape_cast %sub3A_318 : vector<16xi32> to vector<16x1xi32>
        %gather3A_320 = vector.shape_cast %reshape3A_319 : vector<16x1xi32> to vector<16xi32>
        %gather3A_321 = tpu.dynamic_gather %get3A_72[%gather3A_320] in [0] : vector<16xf32>, vector<16xi32> -> vector<16xf32>
        %reshape3A_322 = vector.shape_cast %sub3A_318 : vector<16xi32> to vector<16x1xi32>
        %gather3A_323 = vector.shape_cast %reshape3A_322 : vector<16x1xi32> to vector<16xi32>
        %gather3A_324 = tpu.dynamic_gather %get3A_77[%gather3A_323] in [0] : vector<16xf32>, vector<16xi32> -> vector<16xf32>
        %reshape3A_325 = vector.shape_cast %sub3A_318 : vector<16xi32> to vector<16x1xi32>
        %gather3A_326 = vector.shape_cast %reshape3A_325 : vector<16x1xi32> to vector<16xi32>
        %gather3A_327 = tpu.dynamic_gather %get3A_82[%gather3A_326] in [0] : vector<16xf32>, vector<16xi32> -> vector<16xf32>
        %reshape3A_328 = vector.shape_cast %sub3A_318 : vector<16xi32> to vector<16x1xi32>
        %gather3A_329 = vector.shape_cast %reshape3A_328 : vector<16x1xi32> to vector<16xi32>
        %gather3A_330 = tpu.dynamic_gather %get3A_87[%gather3A_329] in [0] : vector<16xf32>, vector<16xi32> -> vector<16xf32>
        %eq3A_331 = arith.constant 0 : i32
        %eq3A_332 = vector.broadcast %eq3A_331 : i32 to vector<16xi32>
        %eq3A_333 = arith.cmpi eq, %add3A_314, %eq3A_332 : vector<16xi32>
        %eq3A_334 = arith.constant 1 : i32
        %eq3A_335 = vector.broadcast %eq3A_334 : i32 to vector<16xi32>
        %eq3A_336 = arith.cmpi eq, %add3A_314, %eq3A_335 : vector<16xi32>
        %eq3A_337 = arith.constant 2 : i32
        %eq3A_338 = vector.broadcast %eq3A_337 : i32 to vector<16xi32>
        %eq3A_339 = arith.cmpi eq, %add3A_314, %eq3A_338 : vector<16xi32>
        %select_n3A_340 = arith.select %eq3A_339, %gather3A_327, %gather3A_330 : vector<16xi1>, vector<16xf32>
        %select_n3A_341 = arith.select %eq3A_336, %gather3A_324, %select_n3A_340 : vector<16xi1>, vector<16xf32>
        %select_n3A_342 = arith.select %eq3A_333, %gather3A_321, %select_n3A_341 : vector<16xi1>, vector<16xf32>
        %reshape3A_343 = vector.shape_cast %sub3A_318 : vector<16xi32> to vector<16x1xi32>
        %gather3A_344 = vector.shape_cast %reshape3A_343 : vector<16x1xi32> to vector<16xi32>
        %gather3A_345 = tpu.dynamic_gather %get3A_92[%gather3A_344] in [0] : vector<16xf32>, vector<16xi32> -> vector<16xf32>
        %reshape3A_346 = vector.shape_cast %sub3A_318 : vector<16xi32> to vector<16x1xi32>
        %gather3A_347 = vector.shape_cast %reshape3A_346 : vector<16x1xi32> to vector<16xi32>
        %gather3A_348 = tpu.dynamic_gather %get3A_97[%gather3A_347] in [0] : vector<16xf32>, vector<16xi32> -> vector<16xf32>
        %reshape3A_349 = vector.shape_cast %sub3A_318 : vector<16xi32> to vector<16x1xi32>
        %gather3A_350 = vector.shape_cast %reshape3A_349 : vector<16x1xi32> to vector<16xi32>
        %gather3A_351 = tpu.dynamic_gather %get3A_102[%gather3A_350] in [0] : vector<16xf32>, vector<16xi32> -> vector<16xf32>
        %reshape3A_352 = vector.shape_cast %sub3A_318 : vector<16xi32> to vector<16x1xi32>
        %gather3A_353 = vector.shape_cast %reshape3A_352 : vector<16x1xi32> to vector<16xi32>
        %gather3A_354 = tpu.dynamic_gather %get3A_107[%gather3A_353] in [0] : vector<16xf32>, vector<16xi32> -> vector<16xf32>
        %eq3A_355 = arith.constant 0 : i32
        %eq3A_356 = vector.broadcast %eq3A_355 : i32 to vector<16xi32>
        %eq3A_357 = arith.cmpi eq, %add3A_314, %eq3A_356 : vector<16xi32>
        %eq3A_358 = arith.constant 1 : i32
        %eq3A_359 = vector.broadcast %eq3A_358 : i32 to vector<16xi32>
        %eq3A_360 = arith.cmpi eq, %add3A_314, %eq3A_359 : vector<16xi32>
        %eq3A_361 = arith.constant 2 : i32
        %eq3A_362 = vector.broadcast %eq3A_361 : i32 to vector<16xi32>
        %eq3A_363 = arith.cmpi eq, %add3A_314, %eq3A_362 : vector<16xi32>
        %select_n3A_364 = arith.select %eq3A_363, %gather3A_351, %gather3A_354 : vector<16xi1>, vector<16xf32>
        %select_n3A_365 = arith.select %eq3A_360, %gather3A_348, %select_n3A_364 : vector<16xi1>, vector<16xf32>
        %select_n3A_366 = arith.select %eq3A_357, %gather3A_345, %select_n3A_365 : vector<16xi1>, vector<16xf32>
        %mul3A_367 = arith.mulf %select_n3A_366, %get3A_156 : vector<16xf32>
        %add3A_368 = arith.addf %select_n3A_342, %mul3A_367 : vector<16xf32>
        %add3A_369 = arith.constant 0 : i32
        %add3A_370 = arith.addi %mul3A_48, %add3A_369 : i32
        %swap3A = arith.index_cast %add3A_370 : i32 to index
        %swap3A_371 = tpu.vector_load %arg14[%swap3A] {strides = array<i32>} : memref<8192xf32, #tpu.memory_space<vmem>>, vector<16xf32>,
        %swap3A_372 = vector.shape_cast %swap3A_371 : vector<16xf32> to vector<16xf32>
        %swap3A_373 = vector.shape_cast %add3A_368 : vector<16xf32> to vector<16xf32>
        tpu.vector_store %arg14[%swap3A], %swap3A_373 {strides = array<i32>} : memref<8192xf32, #tpu.memory_space<vmem>>, vector<16xf32>,
        %mul3A_374 = arith.mulf %add3A_368, %gather3A_143 : vector<16xf32>
        %add3A_375 = arith.addf %mul3A_374, %gather3A_128 : vector<16xf32>
        %add3A_376 = arith.constant 0 : i32
        %add3A_377 = arith.addi %mul3A_48, %add3A_376 : i32
        %swap3A_378 = arith.index_cast %add3A_377 : i32 to index
        %swap3A_379 = tpu.vector_load %arg15[%swap3A_378] {strides = array<i32>} : memref<24576xf32, #tpu.memory_space<vmem>>, vector<16xf32>,
        %swap3A_380 = vector.shape_cast %swap3A_379 : vector<16xf32> to vector<16xf32>
        %swap3A_381 = vector.shape_cast %add3A_375 : vector<16xf32> to vector<16xf32>
        tpu.vector_store %arg15[%swap3A_378], %swap3A_381 {strides = array<i32>} : memref<24576xf32, #tpu.memory_space<vmem>>, vector<16xf32>,
        %mul3A_382 = arith.mulf %add3A_368, %gather3A_148 : vector<16xf32>
        %add3A_383 = arith.addf %mul3A_382, %gather3A_133 : vector<16xf32>
        %add3A_384 = arith.constant 8192 : i32
        %add3A_385 = arith.addi %add3A_384, %mul3A_48 : i32
        %add3A_386 = arith.constant 0 : i32
        %add3A_387 = arith.addi %add3A_385, %add3A_386 : i32
        %swap3A_388 = arith.index_cast %add3A_387 : i32 to index
        %swap3A_389 = tpu.vector_load %arg15[%swap3A_388] {strides = array<i32>} : memref<24576xf32, #tpu.memory_space<vmem>>, vector<16xf32>,
        %swap3A_390 = vector.shape_cast %swap3A_389 : vector<16xf32> to vector<16xf32>
        %swap3A_391 = vector.shape_cast %add3A_383 : vector<16xf32> to vector<16xf32>
        tpu.vector_store %arg15[%swap3A_388], %swap3A_391 {strides = array<i32>} : memref<24576xf32, #tpu.memory_space<vmem>>, vector<16xf32>,
        %mul3A_392 = arith.mulf %add3A_368, %gather3A_153 : vector<16xf32>
        %add3A_393 = arith.addf %mul3A_392, %gather3A_138 : vector<16xf32>
        %add3A_394 = arith.constant 16384 : i32
        %add3A_395 = arith.addi %add3A_394, %mul3A_48 : i32
        %add3A_396 = arith.constant 0 : i32
        %add3A_397 = arith.addi %add3A_395, %add3A_396 : i32
        %swap3A_398 = arith.index_cast %add3A_397 : i32 to index
        %swap3A_399 = tpu.vector_load %arg15[%swap3A_398] {strides = array<i32>} : memref<24576xf32, #tpu.memory_space<vmem>>, vector<16xf32>,
        %swap3A_400 = vector.shape_cast %swap3A_399 : vector<16xf32> to vector<16xf32>
        %swap3A_401 = vector.shape_cast %add3A_393 : vector<16xf32> to vector<16xf32>
        tpu.vector_store %arg15[%swap3A_398], %swap3A_401 {strides = array<i32>} : memref<24576xf32, #tpu.memory_space<vmem>>, vector<16xf32>,
        %get3A_402 = arith.constant 16 : index
        %get3A_403 = tpu.vector_load %arg9[%get3A_402] {strides = array<i32>} : memref<64xf32, #tpu.memory_space<vmem>>, vector<16xf32>,
        %get3A_404 = vector.shape_cast %get3A_403 : vector<16xf32> to vector<16xf32>
        %broadcast_in_dim3A_405 = arith.constant 0 : i32
        %broadcast_in_dim3A_406 = vector.broadcast %broadcast_in_dim3A_405 : i32 to vector<16xi32>
        %broadcast_in_dim3A_407 = arith.constant 1 : i32
        %broadcast_in_dim3A_408 = vector.broadcast %broadcast_in_dim3A_407 : i32 to vector<16xi32>
        %lt3A_409 = arith.cmpf olt, %gather3A_109, %get3A_404 : vector<16xf32>
        %select_n3A_410 = arith.select %lt3A_409, %broadcast_in_dim3A_408, %broadcast_in_dim3A_406 : vector<16xi1>, vector<16xi32>
        %lt3A_411 = arith.cmpf olt, %gather3A_112, %get3A_404 : vector<16xf32>
        %select_n3A_412 = arith.select %lt3A_411, %broadcast_in_dim3A_408, %broadcast_in_dim3A_406 : vector<16xi1>, vector<16xi32>
        %add3A_413 = arith.addi %select_n3A_410, %select_n3A_412 : vector<16xi32>
        %lt3A_414 = arith.cmpf olt, %gather3A_115, %get3A_404 : vector<16xf32>
        %select_n3A_415 = arith.select %lt3A_414, %broadcast_in_dim3A_408, %broadcast_in_dim3A_406 : vector<16xi1>, vector<16xi32>
        %add3A_416 = arith.addi %add3A_413, %select_n3A_415 : vector<16xi32>
        %broadcast_in_dim3A_417 = arith.constant 0 : i32
        %broadcast_in_dim3A_418 = vector.broadcast %broadcast_in_dim3A_417 : i32 to vector<16xi32>
        %add3A_419 = arith.constant 7 : i32
        %add3A_420 = vector.broadcast %add3A_419 : i32 to vector<16xi32>
        %add3A_421 = arith.addi %broadcast_in_dim3A_418, %add3A_420 : vector<16xi32>
        %reshape3A_422 = vector.shape_cast %add3A_421 : vector<16xi32> to vector<16x1xi32>
        %gather3A_423 = vector.shape_cast %reshape3A_422 : vector<16x1xi32> to vector<16xi32>
        %gather3A_424 = tpu.dynamic_gather %get3A_52[%gather3A_423] in [0] : vector<16xf32>, vector<16xi32> -> vector<16xf32>
        %reshape3A_425 = vector.shape_cast %add3A_421 : vector<16xi32> to vector<16x1xi32>
        %gather3A_426 = vector.shape_cast %reshape3A_425 : vector<16x1xi32> to vector<16xi32>
        %gather3A_427 = tpu.dynamic_gather %get3A_57[%gather3A_426] in [0] : vector<16xf32>, vector<16xi32> -> vector<16xf32>
        %reshape3A_428 = vector.shape_cast %add3A_421 : vector<16xi32> to vector<16x1xi32>
        %gather3A_429 = vector.shape_cast %reshape3A_428 : vector<16x1xi32> to vector<16xi32>
        %gather3A_430 = tpu.dynamic_gather %get3A_62[%gather3A_429] in [0] : vector<16xf32>, vector<16xi32> -> vector<16xf32>
        %reshape3A_431 = vector.shape_cast %add3A_421 : vector<16xi32> to vector<16x1xi32>
        %gather3A_432 = vector.shape_cast %reshape3A_431 : vector<16x1xi32> to vector<16xi32>
        %gather3A_433 = tpu.dynamic_gather %get3A_67[%gather3A_432] in [0] : vector<16xf32>, vector<16xi32> -> vector<16xf32>
        %eq3A_434 = arith.constant 0 : i32
        %eq3A_435 = vector.broadcast %eq3A_434 : i32 to vector<16xi32>
        %eq3A_436 = arith.cmpi eq, %add3A_416, %eq3A_435 : vector<16xi32>
        %eq3A_437 = arith.constant 1 : i32
        %eq3A_438 = vector.broadcast %eq3A_437 : i32 to vector<16xi32>
        %eq3A_439 = arith.cmpi eq, %add3A_416, %eq3A_438 : vector<16xi32>
        %eq3A_440 = arith.constant 2 : i32
        %eq3A_441 = vector.broadcast %eq3A_440 : i32 to vector<16xi32>
        %eq3A_442 = arith.cmpi eq, %add3A_416, %eq3A_441 : vector<16xi32>
        %select_n3A_443 = arith.select %eq3A_442, %gather3A_430, %gather3A_433 : vector<16xi1>, vector<16xf32>
        %select_n3A_444 = arith.select %eq3A_439, %gather3A_427, %select_n3A_443 : vector<16xi1>, vector<16xf32>
        %select_n3A_445 = arith.select %eq3A_436, %gather3A_424, %select_n3A_444 : vector<16xi1>, vector<16xf32>
        %lt3A_446 = arith.cmpf olt, %select_n3A_445, %get3A_404 : vector<16xf32>
        %add3A_447 = arith.constant 8 : i32
        %add3A_448 = vector.broadcast %add3A_447 : i32 to vector<16xi32>
        %add3A_449 = arith.addi %broadcast_in_dim3A_418, %add3A_448 : vector<16xi32>
        %select_n3A_450 = arith.select %lt3A_446, %add3A_449, %broadcast_in_dim3A_418 : vector<16xi1>, vector<16xi32>
        %add3A_451 = arith.constant 3 : i32
        %add3A_452 = vector.broadcast %add3A_451 : i32 to vector<16xi32>
        %add3A_453 = arith.addi %select_n3A_450, %add3A_452 : vector<16xi32>
        %reshape3A_454 = vector.shape_cast %add3A_453 : vector<16xi32> to vector<16x1xi32>
        %gather3A_455 = vector.shape_cast %reshape3A_454 : vector<16x1xi32> to vector<16xi32>
        %gather3A_456 = tpu.dynamic_gather %get3A_52[%gather3A_455] in [0] : vector<16xf32>, vector<16xi32> -> vector<16xf32>
        %reshape3A_457 = vector.shape_cast %add3A_453 : vector<16xi32> to vector<16x1xi32>
        %gather3A_458 = vector.shape_cast %reshape3A_457 : vector<16x1xi32> to vector<16xi32>
        %gather3A_459 = tpu.dynamic_gather %get3A_57[%gather3A_458] in [0] : vector<16xf32>, vector<16xi32> -> vector<16xf32>
        %reshape3A_460 = vector.shape_cast %add3A_453 : vector<16xi32> to vector<16x1xi32>
        %gather3A_461 = vector.shape_cast %reshape3A_460 : vector<16x1xi32> to vector<16xi32>
        %gather3A_462 = tpu.dynamic_gather %get3A_62[%gather3A_461] in [0] : vector<16xf32>, vector<16xi32> -> vector<16xf32>
        %reshape3A_463 = vector.shape_cast %add3A_453 : vector<16xi32> to vector<16x1xi32>
        %gather3A_464 = vector.shape_cast %reshape3A_463 : vector<16x1xi32> to vector<16xi32>
        %gather3A_465 = tpu.dynamic_gather %get3A_67[%gather3A_464] in [0] : vector<16xf32>, vector<16xi32> -> vector<16xf32>
        %eq3A_466 = arith.constant 0 : i32
        %eq3A_467 = vector.broadcast %eq3A_466 : i32 to vector<16xi32>
        %eq3A_468 = arith.cmpi eq, %add3A_416, %eq3A_467 : vector<16xi32>
        %eq3A_469 = arith.constant 1 : i32
        %eq3A_470 = vector.broadcast %eq3A_469 : i32 to vector<16xi32>
        %eq3A_471 = arith.cmpi eq, %add3A_416, %eq3A_470 : vector<16xi32>
        %eq3A_472 = arith.constant 2 : i32
        %eq3A_473 = vector.broadcast %eq3A_472 : i32 to vector<16xi32>
        %eq3A_474 = arith.cmpi eq, %add3A_416, %eq3A_473 : vector<16xi32>
        %select_n3A_475 = arith.select %eq3A_474, %gather3A_462, %gather3A_465 : vector<16xi1>, vector<16xf32>
        %select_n3A_476 = arith.select %eq3A_471, %gather3A_459, %select_n3A_475 : vector<16xi1>, vector<16xf32>
        %select_n3A_477 = arith.select %eq3A_468, %gather3A_456, %select_n3A_476 : vector<16xi1>, vector<16xf32>
        %lt3A_478 = arith.cmpf olt, %select_n3A_477, %get3A_404 : vector<16xf32>
        %add3A_479 = arith.constant 4 : i32
        %add3A_480 = vector.broadcast %add3A_479 : i32 to vector<16xi32>
        %add3A_481 = arith.addi %select_n3A_450, %add3A_480 : vector<16xi32>
        %select_n3A_482 = arith.select %lt3A_478, %add3A_481, %select_n3A_450 : vector<16xi1>, vector<16xi32>
        %add3A_483 = arith.constant 1 : i32
        %add3A_484 = vector.broadcast %add3A_483 : i32 to vector<16xi32>
        %add3A_485 = arith.addi %select_n3A_482, %add3A_484 : vector<16xi32>
        %reshape3A_486 = vector.shape_cast %add3A_485 : vector<16xi32> to vector<16x1xi32>
        %gather3A_487 = vector.shape_cast %reshape3A_486 : vector<16x1xi32> to vector<16xi32>
        %gather3A_488 = tpu.dynamic_gather %get3A_52[%gather3A_487] in [0] : vector<16xf32>, vector<16xi32> -> vector<16xf32>
        %reshape3A_489 = vector.shape_cast %add3A_485 : vector<16xi32> to vector<16x1xi32>
        %gather3A_490 = vector.shape_cast %reshape3A_489 : vector<16x1xi32> to vector<16xi32>
        %gather3A_491 = tpu.dynamic_gather %get3A_57[%gather3A_490] in [0] : vector<16xf32>, vector<16xi32> -> vector<16xf32>
        %reshape3A_492 = vector.shape_cast %add3A_485 : vector<16xi32> to vector<16x1xi32>
        %gather3A_493 = vector.shape_cast %reshape3A_492 : vector<16x1xi32> to vector<16xi32>
        %gather3A_494 = tpu.dynamic_gather %get3A_62[%gather3A_493] in [0] : vector<16xf32>, vector<16xi32> -> vector<16xf32>
        %reshape3A_495 = vector.shape_cast %add3A_485 : vector<16xi32> to vector<16x1xi32>
        %gather3A_496 = vector.shape_cast %reshape3A_495 : vector<16x1xi32> to vector<16xi32>
        %gather3A_497 = tpu.dynamic_gather %get3A_67[%gather3A_496] in [0] : vector<16xf32>, vector<16xi32> -> vector<16xf32>
        %eq3A_498 = arith.constant 0 : i32
        %eq3A_499 = vector.broadcast %eq3A_498 : i32 to vector<16xi32>
        %eq3A_500 = arith.cmpi eq, %add3A_416, %eq3A_499 : vector<16xi32>
        %eq3A_501 = arith.constant 1 : i32
        %eq3A_502 = vector.broadcast %eq3A_501 : i32 to vector<16xi32>
        %eq3A_503 = arith.cmpi eq, %add3A_416, %eq3A_502 : vector<16xi32>
        %eq3A_504 = arith.constant 2 : i32
        %eq3A_505 = vector.broadcast %eq3A_504 : i32 to vector<16xi32>
        %eq3A_506 = arith.cmpi eq, %add3A_416, %eq3A_505 : vector<16xi32>
        %select_n3A_507 = arith.select %eq3A_506, %gather3A_494, %gather3A_497 : vector<16xi1>, vector<16xf32>
        %select_n3A_508 = arith.select %eq3A_503, %gather3A_491, %select_n3A_507 : vector<16xi1>, vector<16xf32>
        %select_n3A_509 = arith.select %eq3A_500, %gather3A_488, %select_n3A_508 : vector<16xi1>, vector<16xf32>
        %lt3A_510 = arith.cmpf olt, %select_n3A_509, %get3A_404 : vector<16xf32>
        %add3A_511 = arith.constant 2 : i32
        %add3A_512 = vector.broadcast %add3A_511 : i32 to vector<16xi32>
        %add3A_513 = arith.addi %select_n3A_482, %add3A_512 : vector<16xi32>
        %select_n3A_514 = arith.select %lt3A_510, %add3A_513, %select_n3A_482 : vector<16xi1>, vector<16xi32>
        %add3A_515 = arith.constant 0 : i32
        %add3A_516 = vector.broadcast %add3A_515 : i32 to vector<16xi32>
        %add3A_517 = arith.addi %select_n3A_514, %add3A_516 : vector<16xi32>
        %reshape3A_518 = vector.shape_cast %add3A_517 : vector<16xi32> to vector<16x1xi32>
        %gather3A_519 = vector.shape_cast %reshape3A_518 : vector<16x1xi32> to vector<16xi32>
        %gather3A_520 = tpu.dynamic_gather %get3A_52[%gather3A_519] in [0] : vector<16xf32>, vector<16xi32> -> vector<16xf32>
        %reshape3A_521 = vector.shape_cast %add3A_517 : vector<16xi32> to vector<16x1xi32>
        %gather3A_522 = vector.shape_cast %reshape3A_521 : vector<16x1xi32> to vector<16xi32>
        %gather3A_523 = tpu.dynamic_gather %get3A_57[%gather3A_522] in [0] : vector<16xf32>, vector<16xi32> -> vector<16xf32>
        %reshape3A_524 = vector.shape_cast %add3A_517 : vector<16xi32> to vector<16x1xi32>
        %gather3A_525 = vector.shape_cast %reshape3A_524 : vector<16x1xi32> to vector<16xi32>
        %gather3A_526 = tpu.dynamic_gather %get3A_62[%gather3A_525] in [0] : vector<16xf32>, vector<16xi32> -> vector<16xf32>
        %reshape3A_527 = vector.shape_cast %add3A_517 : vector<16xi32> to vector<16x1xi32>
        %gather3A_528 = vector.shape_cast %reshape3A_527 : vector<16x1xi32> to vector<16xi32>
        %gather3A_529 = tpu.dynamic_gather %get3A_67[%gather3A_528] in [0] : vector<16xf32>, vector<16xi32> -> vector<16xf32>
        %eq3A_530 = arith.constant 0 : i32
        %eq3A_531 = vector.broadcast %eq3A_530 : i32 to vector<16xi32>
        %eq3A_532 = arith.cmpi eq, %add3A_416, %eq3A_531 : vector<16xi32>
        %eq3A_533 = arith.constant 1 : i32
        %eq3A_534 = vector.broadcast %eq3A_533 : i32 to vector<16xi32>
        %eq3A_535 = arith.cmpi eq, %add3A_416, %eq3A_534 : vector<16xi32>
        %eq3A_536 = arith.constant 2 : i32
        %eq3A_537 = vector.broadcast %eq3A_536 : i32 to vector<16xi32>
        %eq3A_538 = arith.cmpi eq, %add3A_416, %eq3A_537 : vector<16xi32>
        %select_n3A_539 = arith.select %eq3A_538, %gather3A_526, %gather3A_529 : vector<16xi1>, vector<16xf32>
        %select_n3A_540 = arith.select %eq3A_535, %gather3A_523, %select_n3A_539 : vector<16xi1>, vector<16xf32>
        %select_n3A_541 = arith.select %eq3A_532, %gather3A_520, %select_n3A_540 : vector<16xi1>, vector<16xf32>
        %lt3A_542 = arith.cmpf olt, %select_n3A_541, %get3A_404 : vector<16xf32>
        %add3A_543 = arith.constant 1 : i32
        %add3A_544 = vector.broadcast %add3A_543 : i32 to vector<16xi32>
        %add3A_545 = arith.addi %select_n3A_514, %add3A_544 : vector<16xi32>
        %select_n3A_546 = arith.select %lt3A_542, %add3A_545, %select_n3A_514 : vector<16xi1>, vector<16xi32>
        %mul3A_547 = arith.constant 16 : i32
        %mul3A_548 = vector.broadcast %mul3A_547 : i32 to vector<16xi32>
        %mul3A_549 = arith.muli %add3A_416, %mul3A_548 : vector<16xi32>
        %add3A_550 = arith.addi %mul3A_549, %select_n3A_546 : vector<16xi32>
        %lt3A_551 = arith.cmpf olt, %gather3A_118, %get3A_404 : vector<16xf32>
        %max3A_552 = arith.maxsi %add3A_550, %broadcast_in_dim3A_408 : vector<16xi32>
        %sub3A_553 = arith.subi %max3A_552, %broadcast_in_dim3A_408 : vector<16xi32>
        %select_n3A_554 = arith.select %lt3A_551, %broadcast_in_dim3A_406, %sub3A_553 : vector<16xi1>, vector<16xi32>
        %ge3A_555 = arith.constant 16 : i32
        %ge3A_556 = vector.broadcast %ge3A_555 : i32 to vector<16xi32>
        %ge3A_557 = arith.cmpi sge, %select_n3A_554, %ge3A_556 : vector<16xi32>
        %select_n3A_558 = arith.select %ge3A_557, %broadcast_in_dim3A_408, %broadcast_in_dim3A_406 : vector<16xi1>, vector<16xi32>
        %ge3A_559 = arith.constant 32 : i32
        %ge3A_560 = vector.broadcast %ge3A_559 : i32 to vector<16xi32>
        %ge3A_561 = arith.cmpi sge, %select_n3A_554, %ge3A_560 : vector<16xi32>
        %select_n3A_562 = arith.select %ge3A_561, %broadcast_in_dim3A_408, %broadcast_in_dim3A_406 : vector<16xi1>, vector<16xi32>
        %add3A_563 = arith.addi %select_n3A_558, %select_n3A_562 : vector<16xi32>
        %ge3A_564 = arith.constant 48 : i32
        %ge3A_565 = vector.broadcast %ge3A_564 : i32 to vector<16xi32>
        %ge3A_566 = arith.cmpi sge, %select_n3A_554, %ge3A_565 : vector<16xi32>
        %select_n3A_567 = arith.select %ge3A_566, %broadcast_in_dim3A_408, %broadcast_in_dim3A_406 : vector<16xi1>, vector<16xi32>
        %add3A_568 = arith.addi %add3A_563, %select_n3A_567 : vector<16xi32>
        %mul3A_569 = arith.constant 16 : i32
        %mul3A_570 = vector.broadcast %mul3A_569 : i32 to vector<16xi32>
        %mul3A_571 = arith.muli %add3A_568, %mul3A_570 : vector<16xi32>
        %sub3A_572 = arith.subi %select_n3A_554, %mul3A_571 : vector<16xi32>
        %reshape3A_573 = vector.shape_cast %sub3A_572 : vector<16xi32> to vector<16x1xi32>
        %gather3A_574 = vector.shape_cast %reshape3A_573 : vector<16x1xi32> to vector<16xi32>
        %gather3A_575 = tpu.dynamic_gather %get3A_72[%gather3A_574] in [0] : vector<16xf32>, vector<16xi32> -> vector<16xf32>
        %reshape3A_576 = vector.shape_cast %sub3A_572 : vector<16xi32> to vector<16x1xi32>
        %gather3A_577 = vector.shape_cast %reshape3A_576 : vector<16x1xi32> to vector<16xi32>
        %gather3A_578 = tpu.dynamic_gather %get3A_77[%gather3A_577] in [0] : vector<16xf32>, vector<16xi32> -> vector<16xf32>
        %reshape3A_579 = vector.shape_cast %sub3A_572 : vector<16xi32> to vector<16x1xi32>
        %gather3A_580 = vector.shape_cast %reshape3A_579 : vector<16x1xi32> to vector<16xi32>
        %gather3A_581 = tpu.dynamic_gather %get3A_82[%gather3A_580] in [0] : vector<16xf32>, vector<16xi32> -> vector<16xf32>
        %reshape3A_582 = vector.shape_cast %sub3A_572 : vector<16xi32> to vector<16x1xi32>
        %gather3A_583 = vector.shape_cast %reshape3A_582 : vector<16x1xi32> to vector<16xi32>
        %gather3A_584 = tpu.dynamic_gather %get3A_87[%gather3A_583] in [0] : vector<16xf32>, vector<16xi32> -> vector<16xf32>
        %eq3A_585 = arith.constant 0 : i32
        %eq3A_586 = vector.broadcast %eq3A_585 : i32 to vector<16xi32>
        %eq3A_587 = arith.cmpi eq, %add3A_568, %eq3A_586 : vector<16xi32>
        %eq3A_588 = arith.constant 1 : i32
        %eq3A_589 = vector.broadcast %eq3A_588 : i32 to vector<16xi32>
        %eq3A_590 = arith.cmpi eq, %add3A_568, %eq3A_589 : vector<16xi32>
        %eq3A_591 = arith.constant 2 : i32
        %eq3A_592 = vector.broadcast %eq3A_591 : i32 to vector<16xi32>
        %eq3A_593 = arith.cmpi eq, %add3A_568, %eq3A_592 : vector<16xi32>
        %select_n3A_594 = arith.select %eq3A_593, %gather3A_581, %gather3A_584 : vector<16xi1>, vector<16xf32>
        %select_n3A_595 = arith.select %eq3A_590, %gather3A_578, %select_n3A_594 : vector<16xi1>, vector<16xf32>
        %select_n3A_596 = arith.select %eq3A_587, %gather3A_575, %select_n3A_595 : vector<16xi1>, vector<16xf32>
        %reshape3A_597 = vector.shape_cast %sub3A_572 : vector<16xi32> to vector<16x1xi32>
        %gather3A_598 = vector.shape_cast %reshape3A_597 : vector<16x1xi32> to vector<16xi32>
        %gather3A_599 = tpu.dynamic_gather %get3A_92[%gather3A_598] in [0] : vector<16xf32>, vector<16xi32> -> vector<16xf32>
        %reshape3A_600 = vector.shape_cast %sub3A_572 : vector<16xi32> to vector<16x1xi32>
        %gather3A_601 = vector.shape_cast %reshape3A_600 : vector<16x1xi32> to vector<16xi32>
        %gather3A_602 = tpu.dynamic_gather %get3A_97[%gather3A_601] in [0] : vector<16xf32>, vector<16xi32> -> vector<16xf32>
        %reshape3A_603 = vector.shape_cast %sub3A_572 : vector<16xi32> to vector<16x1xi32>
        %gather3A_604 = vector.shape_cast %reshape3A_603 : vector<16x1xi32> to vector<16xi32>
        %gather3A_605 = tpu.dynamic_gather %get3A_102[%gather3A_604] in [0] : vector<16xf32>, vector<16xi32> -> vector<16xf32>
        %reshape3A_606 = vector.shape_cast %sub3A_572 : vector<16xi32> to vector<16x1xi32>
        %gather3A_607 = vector.shape_cast %reshape3A_606 : vector<16x1xi32> to vector<16xi32>
        %gather3A_608 = tpu.dynamic_gather %get3A_107[%gather3A_607] in [0] : vector<16xf32>, vector<16xi32> -> vector<16xf32>
        %eq3A_609 = arith.constant 0 : i32
        %eq3A_610 = vector.broadcast %eq3A_609 : i32 to vector<16xi32>
        %eq3A_611 = arith.cmpi eq, %add3A_568, %eq3A_610 : vector<16xi32>
        %eq3A_612 = arith.constant 1 : i32
        %eq3A_613 = vector.broadcast %eq3A_612 : i32 to vector<16xi32>
        %eq3A_614 = arith.cmpi eq, %add3A_568, %eq3A_613 : vector<16xi32>
        %eq3A_615 = arith.constant 2 : i32
        %eq3A_616 = vector.broadcast %eq3A_615 : i32 to vector<16xi32>
        %eq3A_617 = arith.cmpi eq, %add3A_568, %eq3A_616 : vector<16xi32>
        %select_n3A_618 = arith.select %eq3A_617, %gather3A_605, %gather3A_608 : vector<16xi1>, vector<16xf32>
        %select_n3A_619 = arith.select %eq3A_614, %gather3A_602, %select_n3A_618 : vector<16xi1>, vector<16xf32>
        %select_n3A_620 = arith.select %eq3A_611, %gather3A_599, %select_n3A_619 : vector<16xi1>, vector<16xf32>
        %mul3A_621 = arith.mulf %select_n3A_620, %get3A_404 : vector<16xf32>
        %add3A_622 = arith.addf %select_n3A_596, %mul3A_621 : vector<16xf32>
        %add3A_623 = arith.constant 16 : i32
        %add3A_624 = arith.addi %mul3A_48, %add3A_623 : i32
        %swap3A_625 = arith.index_cast %add3A_624 : i32 to index
        %swap3A_626 = tpu.vector_load %arg14[%swap3A_625] {strides = array<i32>} : memref<8192xf32, #tpu.memory_space<vmem>>, vector<16xf32>,
        %swap3A_627 = vector.shape_cast %swap3A_626 : vector<16xf32> to vector<16xf32>
        %swap3A_628 = vector.shape_cast %add3A_622 : vector<16xf32> to vector<16xf32>
        tpu.vector_store %arg14[%swap3A_625], %swap3A_628 {strides = array<i32>} : memref<8192xf32, #tpu.memory_space<vmem>>, vector<16xf32>,
        %mul3A_629 = arith.mulf %add3A_622, %gather3A_143 : vector<16xf32>
        %add3A_630 = arith.addf %mul3A_629, %gather3A_128 : vector<16xf32>
        %add3A_631 = arith.constant 16 : i32
        %add3A_632 = arith.addi %mul3A_48, %add3A_631 : i32
        %swap3A_633 = arith.index_cast %add3A_632 : i32 to index
        %swap3A_634 = tpu.vector_load %arg15[%swap3A_633] {strides = array<i32>} : memref<24576xf32, #tpu.memory_space<vmem>>, vector<16xf32>,
        %swap3A_635 = vector.shape_cast %swap3A_634 : vector<16xf32> to vector<16xf32>
        %swap3A_636 = vector.shape_cast %add3A_630 : vector<16xf32> to vector<16xf32>
        tpu.vector_store %arg15[%swap3A_633], %swap3A_636 {strides = array<i32>} : memref<24576xf32, #tpu.memory_space<vmem>>, vector<16xf32>,
        %mul3A_637 = arith.mulf %add3A_622, %gather3A_148 : vector<16xf32>
        %add3A_638 = arith.addf %mul3A_637, %gather3A_133 : vector<16xf32>
        %add3A_639 = arith.constant 8192 : i32
        %add3A_640 = arith.addi %add3A_639, %mul3A_48 : i32
        %add3A_641 = arith.constant 16 : i32
        %add3A_642 = arith.addi %add3A_640, %add3A_641 : i32
        %swap3A_643 = arith.index_cast %add3A_642 : i32 to index
        %swap3A_644 = tpu.vector_load %arg15[%swap3A_643] {strides = array<i32>} : memref<24576xf32, #tpu.memory_space<vmem>>, vector<16xf32>,
        %swap3A_645 = vector.shape_cast %swap3A_644 : vector<16xf32> to vector<16xf32>
        %swap3A_646 = vector.shape_cast %add3A_638 : vector<16xf32> to vector<16xf32>
        tpu.vector_store %arg15[%swap3A_643], %swap3A_646 {strides = array<i32>} : memref<24576xf32, #tpu.memory_space<vmem>>, vector<16xf32>,
        %mul3A_647 = arith.mulf %add3A_622, %gather3A_153 : vector<16xf32>
        %add3A_648 = arith.addf %mul3A_647, %gather3A_138 : vector<16xf32>
        %add3A_649 = arith.constant 16384 : i32
        %add3A_650 = arith.addi %add3A_649, %mul3A_48 : i32
        %add3A_651 = arith.constant 16 : i32
        %add3A_652 = arith.addi %add3A_650, %add3A_651 : i32
        %swap3A_653 = arith.index_cast %add3A_652 : i32 to index
        %swap3A_654 = tpu.vector_load %arg15[%swap3A_653] {strides = array<i32>} : memref<24576xf32, #tpu.memory_space<vmem>>, vector<16xf32>,
        %swap3A_655 = vector.shape_cast %swap3A_654 : vector<16xf32> to vector<16xf32>
        %swap3A_656 = vector.shape_cast %add3A_648 : vector<16xf32> to vector<16xf32>
        tpu.vector_store %arg15[%swap3A_653], %swap3A_656 {strides = array<i32>} : memref<24576xf32, #tpu.memory_space<vmem>>, vector<16xf32>,
        %get3A_657 = arith.constant 32 : index
        %get3A_658 = tpu.vector_load %arg9[%get3A_657] {strides = array<i32>} : memref<64xf32, #tpu.memory_space<vmem>>, vector<16xf32>,
        %get3A_659 = vector.shape_cast %get3A_658 : vector<16xf32> to vector<16xf32>
        %broadcast_in_dim3A_660 = arith.constant 0 : i32
        %broadcast_in_dim3A_661 = vector.broadcast %broadcast_in_dim3A_660 : i32 to vector<16xi32>
        %broadcast_in_dim3A_662 = arith.constant 1 : i32
        %broadcast_in_dim3A_663 = vector.broadcast %broadcast_in_dim3A_662 : i32 to vector<16xi32>
        %lt3A_664 = arith.cmpf olt, %gather3A_109, %get3A_659 : vector<16xf32>
        %select_n3A_665 = arith.select %lt3A_664, %broadcast_in_dim3A_663, %broadcast_in_dim3A_661 : vector<16xi1>, vector<16xi32>
        %lt3A_666 = arith.cmpf olt, %gather3A_112, %get3A_659 : vector<16xf32>
        %select_n3A_667 = arith.select %lt3A_666, %broadcast_in_dim3A_663, %broadcast_in_dim3A_661 : vector<16xi1>, vector<16xi32>
        %add3A_668 = arith.addi %select_n3A_665, %select_n3A_667 : vector<16xi32>
        %lt3A_669 = arith.cmpf olt, %gather3A_115, %get3A_659 : vector<16xf32>
        %select_n3A_670 = arith.select %lt3A_669, %broadcast_in_dim3A_663, %broadcast_in_dim3A_661 : vector<16xi1>, vector<16xi32>
        %add3A_671 = arith.addi %add3A_668, %select_n3A_670 : vector<16xi32>
        %broadcast_in_dim3A_672 = arith.constant 0 : i32
        %broadcast_in_dim3A_673 = vector.broadcast %broadcast_in_dim3A_672 : i32 to vector<16xi32>
        %add3A_674 = arith.constant 7 : i32
        %add3A_675 = vector.broadcast %add3A_674 : i32 to vector<16xi32>
        %add3A_676 = arith.addi %broadcast_in_dim3A_673, %add3A_675 : vector<16xi32>
        %reshape3A_677 = vector.shape_cast %add3A_676 : vector<16xi32> to vector<16x1xi32>
        %gather3A_678 = vector.shape_cast %reshape3A_677 : vector<16x1xi32> to vector<16xi32>
        %gather3A_679 = tpu.dynamic_gather %get3A_52[%gather3A_678] in [0] : vector<16xf32>, vector<16xi32> -> vector<16xf32>
        %reshape3A_680 = vector.shape_cast %add3A_676 : vector<16xi32> to vector<16x1xi32>
        %gather3A_681 = vector.shape_cast %reshape3A_680 : vector<16x1xi32> to vector<16xi32>
        %gather3A_682 = tpu.dynamic_gather %get3A_57[%gather3A_681] in [0] : vector<16xf32>, vector<16xi32> -> vector<16xf32>
        %reshape3A_683 = vector.shape_cast %add3A_676 : vector<16xi32> to vector<16x1xi32>
        %gather3A_684 = vector.shape_cast %reshape3A_683 : vector<16x1xi32> to vector<16xi32>
        %gather3A_685 = tpu.dynamic_gather %get3A_62[%gather3A_684] in [0] : vector<16xf32>, vector<16xi32> -> vector<16xf32>
        %reshape3A_686 = vector.shape_cast %add3A_676 : vector<16xi32> to vector<16x1xi32>
        %gather3A_687 = vector.shape_cast %reshape3A_686 : vector<16x1xi32> to vector<16xi32>
        %gather3A_688 = tpu.dynamic_gather %get3A_67[%gather3A_687] in [0] : vector<16xf32>, vector<16xi32> -> vector<16xf32>
        %eq3A_689 = arith.constant 0 : i32
        %eq3A_690 = vector.broadcast %eq3A_689 : i32 to vector<16xi32>
        %eq3A_691 = arith.cmpi eq, %add3A_671, %eq3A_690 : vector<16xi32>
        %eq3A_692 = arith.constant 1 : i32
        %eq3A_693 = vector.broadcast %eq3A_692 : i32 to vector<16xi32>
        %eq3A_694 = arith.cmpi eq, %add3A_671, %eq3A_693 : vector<16xi32>
        %eq3A_695 = arith.constant 2 : i32
        %eq3A_696 = vector.broadcast %eq3A_695 : i32 to vector<16xi32>
        %eq3A_697 = arith.cmpi eq, %add3A_671, %eq3A_696 : vector<16xi32>
        %select_n3A_698 = arith.select %eq3A_697, %gather3A_685, %gather3A_688 : vector<16xi1>, vector<16xf32>
        %select_n3A_699 = arith.select %eq3A_694, %gather3A_682, %select_n3A_698 : vector<16xi1>, vector<16xf32>
        %select_n3A_700 = arith.select %eq3A_691, %gather3A_679, %select_n3A_699 : vector<16xi1>, vector<16xf32>
        %lt3A_701 = arith.cmpf olt, %select_n3A_700, %get3A_659 : vector<16xf32>
        %add3A_702 = arith.constant 8 : i32
        %add3A_703 = vector.broadcast %add3A_702 : i32 to vector<16xi32>
        %add3A_704 = arith.addi %broadcast_in_dim3A_673, %add3A_703 : vector<16xi32>
        %select_n3A_705 = arith.select %lt3A_701, %add3A_704, %broadcast_in_dim3A_673 : vector<16xi1>, vector<16xi32>
        %add3A_706 = arith.constant 3 : i32
        %add3A_707 = vector.broadcast %add3A_706 : i32 to vector<16xi32>
        %add3A_708 = arith.addi %select_n3A_705, %add3A_707 : vector<16xi32>
        %reshape3A_709 = vector.shape_cast %add3A_708 : vector<16xi32> to vector<16x1xi32>
        %gather3A_710 = vector.shape_cast %reshape3A_709 : vector<16x1xi32> to vector<16xi32>
        %gather3A_711 = tpu.dynamic_gather %get3A_52[%gather3A_710] in [0] : vector<16xf32>, vector<16xi32> -> vector<16xf32>
        %reshape3A_712 = vector.shape_cast %add3A_708 : vector<16xi32> to vector<16x1xi32>
        %gather3A_713 = vector.shape_cast %reshape3A_712 : vector<16x1xi32> to vector<16xi32>
        %gather3A_714 = tpu.dynamic_gather %get3A_57[%gather3A_713] in [0] : vector<16xf32>, vector<16xi32> -> vector<16xf32>
        %reshape3A_715 = vector.shape_cast %add3A_708 : vector<16xi32> to vector<16x1xi32>
        %gather3A_716 = vector.shape_cast %reshape3A_715 : vector<16x1xi32> to vector<16xi32>
        %gather3A_717 = tpu.dynamic_gather %get3A_62[%gather3A_716] in [0] : vector<16xf32>, vector<16xi32> -> vector<16xf32>
        %reshape3A_718 = vector.shape_cast %add3A_708 : vector<16xi32> to vector<16x1xi32>
        %gather3A_719 = vector.shape_cast %reshape3A_718 : vector<16x1xi32> to vector<16xi32>
        %gather3A_720 = tpu.dynamic_gather %get3A_67[%gather3A_719] in [0] : vector<16xf32>, vector<16xi32> -> vector<16xf32>
        %eq3A_721 = arith.constant 0 : i32
        %eq3A_722 = vector.broadcast %eq3A_721 : i32 to vector<16xi32>
        %eq3A_723 = arith.cmpi eq, %add3A_671, %eq3A_722 : vector<16xi32>
        %eq3A_724 = arith.constant 1 : i32
        %eq3A_725 = vector.broadcast %eq3A_724 : i32 to vector<16xi32>
        %eq3A_726 = arith.cmpi eq, %add3A_671, %eq3A_725 : vector<16xi32>
        %eq3A_727 = arith.constant 2 : i32
        %eq3A_728 = vector.broadcast %eq3A_727 : i32 to vector<16xi32>
        %eq3A_729 = arith.cmpi eq, %add3A_671, %eq3A_728 : vector<16xi32>
        %select_n3A_730 = arith.select %eq3A_729, %gather3A_717, %gather3A_720 : vector<16xi1>, vector<16xf32>
        %select_n3A_731 = arith.select %eq3A_726, %gather3A_714, %select_n3A_730 : vector<16xi1>, vector<16xf32>
        %select_n3A_732 = arith.select %eq3A_723, %gather3A_711, %select_n3A_731 : vector<16xi1>, vector<16xf32>
        %lt3A_733 = arith.cmpf olt, %select_n3A_732, %get3A_659 : vector<16xf32>
        %add3A_734 = arith.constant 4 : i32
        %add3A_735 = vector.broadcast %add3A_734 : i32 to vector<16xi32>
        %add3A_736 = arith.addi %select_n3A_705, %add3A_735 : vector<16xi32>
        %select_n3A_737 = arith.select %lt3A_733, %add3A_736, %select_n3A_705 : vector<16xi1>, vector<16xi32>
        %add3A_738 = arith.constant 1 : i32
        %add3A_739 = vector.broadcast %add3A_738 : i32 to vector<16xi32>
        %add3A_740 = arith.addi %select_n3A_737, %add3A_739 : vector<16xi32>
        %reshape3A_741 = vector.shape_cast %add3A_740 : vector<16xi32> to vector<16x1xi32>
        %gather3A_742 = vector.shape_cast %reshape3A_741 : vector<16x1xi32> to vector<16xi32>
        %gather3A_743 = tpu.dynamic_gather %get3A_52[%gather3A_742] in [0] : vector<16xf32>, vector<16xi32> -> vector<16xf32>
        %reshape3A_744 = vector.shape_cast %add3A_740 : vector<16xi32> to vector<16x1xi32>
        %gather3A_745 = vector.shape_cast %reshape3A_744 : vector<16x1xi32> to vector<16xi32>
        %gather3A_746 = tpu.dynamic_gather %get3A_57[%gather3A_745] in [0] : vector<16xf32>, vector<16xi32> -> vector<16xf32>
        %reshape3A_747 = vector.shape_cast %add3A_740 : vector<16xi32> to vector<16x1xi32>
        %gather3A_748 = vector.shape_cast %reshape3A_747 : vector<16x1xi32> to vector<16xi32>
        %gather3A_749 = tpu.dynamic_gather %get3A_62[%gather3A_748] in [0] : vector<16xf32>, vector<16xi32> -> vector<16xf32>
        %reshape3A_750 = vector.shape_cast %add3A_740 : vector<16xi32> to vector<16x1xi32>
        %gather3A_751 = vector.shape_cast %reshape3A_750 : vector<16x1xi32> to vector<16xi32>
        %gather3A_752 = tpu.dynamic_gather %get3A_67[%gather3A_751] in [0] : vector<16xf32>, vector<16xi32> -> vector<16xf32>
        %eq3A_753 = arith.constant 0 : i32
        %eq3A_754 = vector.broadcast %eq3A_753 : i32 to vector<16xi32>
        %eq3A_755 = arith.cmpi eq, %add3A_671, %eq3A_754 : vector<16xi32>
        %eq3A_756 = arith.constant 1 : i32
        %eq3A_757 = vector.broadcast %eq3A_756 : i32 to vector<16xi32>
        %eq3A_758 = arith.cmpi eq, %add3A_671, %eq3A_757 : vector<16xi32>
        %eq3A_759 = arith.constant 2 : i32
        %eq3A_760 = vector.broadcast %eq3A_759 : i32 to vector<16xi32>
        %eq3A_761 = arith.cmpi eq, %add3A_671, %eq3A_760 : vector<16xi32>
        %select_n3A_762 = arith.select %eq3A_761, %gather3A_749, %gather3A_752 : vector<16xi1>, vector<16xf32>
        %select_n3A_763 = arith.select %eq3A_758, %gather3A_746, %select_n3A_762 : vector<16xi1>, vector<16xf32>
        %select_n3A_764 = arith.select %eq3A_755, %gather3A_743, %select_n3A_763 : vector<16xi1>, vector<16xf32>
        %lt3A_765 = arith.cmpf olt, %select_n3A_764, %get3A_659 : vector<16xf32>
        %add3A_766 = arith.constant 2 : i32
        %add3A_767 = vector.broadcast %add3A_766 : i32 to vector<16xi32>
        %add3A_768 = arith.addi %select_n3A_737, %add3A_767 : vector<16xi32>
        %select_n3A_769 = arith.select %lt3A_765, %add3A_768, %select_n3A_737 : vector<16xi1>, vector<16xi32>
        %add3A_770 = arith.constant 0 : i32
        %add3A_771 = vector.broadcast %add3A_770 : i32 to vector<16xi32>
        %add3A_772 = arith.addi %select_n3A_769, %add3A_771 : vector<16xi32>
        %reshape3A_773 = vector.shape_cast %add3A_772 : vector<16xi32> to vector<16x1xi32>
        %gather3A_774 = vector.shape_cast %reshape3A_773 : vector<16x1xi32> to vector<16xi32>
        %gather3A_775 = tpu.dynamic_gather %get3A_52[%gather3A_774] in [0] : vector<16xf32>, vector<16xi32> -> vector<16xf32>
        %reshape3A_776 = vector.shape_cast %add3A_772 : vector<16xi32> to vector<16x1xi32>
        %gather3A_777 = vector.shape_cast %reshape3A_776 : vector<16x1xi32> to vector<16xi32>
        %gather3A_778 = tpu.dynamic_gather %get3A_57[%gather3A_777] in [0] : vector<16xf32>, vector<16xi32> -> vector<16xf32>
        %reshape3A_779 = vector.shape_cast %add3A_772 : vector<16xi32> to vector<16x1xi32>
        %gather3A_780 = vector.shape_cast %reshape3A_779 : vector<16x1xi32> to vector<16xi32>
        %gather3A_781 = tpu.dynamic_gather %get3A_62[%gather3A_780] in [0] : vector<16xf32>, vector<16xi32> -> vector<16xf32>
        %reshape3A_782 = vector.shape_cast %add3A_772 : vector<16xi32> to vector<16x1xi32>
        %gather3A_783 = vector.shape_cast %reshape3A_782 : vector<16x1xi32> to vector<16xi32>
        %gather3A_784 = tpu.dynamic_gather %get3A_67[%gather3A_783] in [0] : vector<16xf32>, vector<16xi32> -> vector<16xf32>
        %eq3A_785 = arith.constant 0 : i32
        %eq3A_786 = vector.broadcast %eq3A_785 : i32 to vector<16xi32>
        %eq3A_787 = arith.cmpi eq, %add3A_671, %eq3A_786 : vector<16xi32>
        %eq3A_788 = arith.constant 1 : i32
        %eq3A_789 = vector.broadcast %eq3A_788 : i32 to vector<16xi32>
        %eq3A_790 = arith.cmpi eq, %add3A_671, %eq3A_789 : vector<16xi32>
        %eq3A_791 = arith.constant 2 : i32
        %eq3A_792 = vector.broadcast %eq3A_791 : i32 to vector<16xi32>
        %eq3A_793 = arith.cmpi eq, %add3A_671, %eq3A_792 : vector<16xi32>
        %select_n3A_794 = arith.select %eq3A_793, %gather3A_781, %gather3A_784 : vector<16xi1>, vector<16xf32>
        %select_n3A_795 = arith.select %eq3A_790, %gather3A_778, %select_n3A_794 : vector<16xi1>, vector<16xf32>
        %select_n3A_796 = arith.select %eq3A_787, %gather3A_775, %select_n3A_795 : vector<16xi1>, vector<16xf32>
        %lt3A_797 = arith.cmpf olt, %select_n3A_796, %get3A_659 : vector<16xf32>
        %add3A_798 = arith.constant 1 : i32
        %add3A_799 = vector.broadcast %add3A_798 : i32 to vector<16xi32>
        %add3A_800 = arith.addi %select_n3A_769, %add3A_799 : vector<16xi32>
        %select_n3A_801 = arith.select %lt3A_797, %add3A_800, %select_n3A_769 : vector<16xi1>, vector<16xi32>
        %mul3A_802 = arith.constant 16 : i32
        %mul3A_803 = vector.broadcast %mul3A_802 : i32 to vector<16xi32>
        %mul3A_804 = arith.muli %add3A_671, %mul3A_803 : vector<16xi32>
        %add3A_805 = arith.addi %mul3A_804, %select_n3A_801 : vector<16xi32>
        %lt3A_806 = arith.cmpf olt, %gather3A_118, %get3A_659 : vector<16xf32>
        %max3A_807 = arith.maxsi %add3A_805, %broadcast_in_dim3A_663 : vector<16xi32>
        %sub3A_808 = arith.subi %max3A_807, %broadcast_in_dim3A_663 : vector<16xi32>
        %select_n3A_809 = arith.select %lt3A_806, %broadcast_in_dim3A_661, %sub3A_808 : vector<16xi1>, vector<16xi32>
        %ge3A_810 = arith.constant 16 : i32
        %ge3A_811 = vector.broadcast %ge3A_810 : i32 to vector<16xi32>
        %ge3A_812 = arith.cmpi sge, %select_n3A_809, %ge3A_811 : vector<16xi32>
        %select_n3A_813 = arith.select %ge3A_812, %broadcast_in_dim3A_663, %broadcast_in_dim3A_661 : vector<16xi1>, vector<16xi32>
        %ge3A_814 = arith.constant 32 : i32
        %ge3A_815 = vector.broadcast %ge3A_814 : i32 to vector<16xi32>
        %ge3A_816 = arith.cmpi sge, %select_n3A_809, %ge3A_815 : vector<16xi32>
        %select_n3A_817 = arith.select %ge3A_816, %broadcast_in_dim3A_663, %broadcast_in_dim3A_661 : vector<16xi1>, vector<16xi32>
        %add3A_818 = arith.addi %select_n3A_813, %select_n3A_817 : vector<16xi32>
        %ge3A_819 = arith.constant 48 : i32
        %ge3A_820 = vector.broadcast %ge3A_819 : i32 to vector<16xi32>
        %ge3A_821 = arith.cmpi sge, %select_n3A_809, %ge3A_820 : vector<16xi32>
        %select_n3A_822 = arith.select %ge3A_821, %broadcast_in_dim3A_663, %broadcast_in_dim3A_661 : vector<16xi1>, vector<16xi32>
        %add3A_823 = arith.addi %add3A_818, %select_n3A_822 : vector<16xi32>
        %mul3A_824 = arith.constant 16 : i32
        %mul3A_825 = vector.broadcast %mul3A_824 : i32 to vector<16xi32>
        %mul3A_826 = arith.muli %add3A_823, %mul3A_825 : vector<16xi32>
        %sub3A_827 = arith.subi %select_n3A_809, %mul3A_826 : vector<16xi32>
        %reshape3A_828 = vector.shape_cast %sub3A_827 : vector<16xi32> to vector<16x1xi32>
        %gather3A_829 = vector.shape_cast %reshape3A_828 : vector<16x1xi32> to vector<16xi32>
        %gather3A_830 = tpu.dynamic_gather %get3A_72[%gather3A_829] in [0] : vector<16xf32>, vector<16xi32> -> vector<16xf32>
        %reshape3A_831 = vector.shape_cast %sub3A_827 : vector<16xi32> to vector<16x1xi32>
        %gather3A_832 = vector.shape_cast %reshape3A_831 : vector<16x1xi32> to vector<16xi32>
        %gather3A_833 = tpu.dynamic_gather %get3A_77[%gather3A_832] in [0] : vector<16xf32>, vector<16xi32> -> vector<16xf32>
        %reshape3A_834 = vector.shape_cast %sub3A_827 : vector<16xi32> to vector<16x1xi32>
        %gather3A_835 = vector.shape_cast %reshape3A_834 : vector<16x1xi32> to vector<16xi32>
        %gather3A_836 = tpu.dynamic_gather %get3A_82[%gather3A_835] in [0] : vector<16xf32>, vector<16xi32> -> vector<16xf32>
        %reshape3A_837 = vector.shape_cast %sub3A_827 : vector<16xi32> to vector<16x1xi32>
        %gather3A_838 = vector.shape_cast %reshape3A_837 : vector<16x1xi32> to vector<16xi32>
        %gather3A_839 = tpu.dynamic_gather %get3A_87[%gather3A_838] in [0] : vector<16xf32>, vector<16xi32> -> vector<16xf32>
        %eq3A_840 = arith.constant 0 : i32
        %eq3A_841 = vector.broadcast %eq3A_840 : i32 to vector<16xi32>
        %eq3A_842 = arith.cmpi eq, %add3A_823, %eq3A_841 : vector<16xi32>
        %eq3A_843 = arith.constant 1 : i32
        %eq3A_844 = vector.broadcast %eq3A_843 : i32 to vector<16xi32>
        %eq3A_845 = arith.cmpi eq, %add3A_823, %eq3A_844 : vector<16xi32>
        %eq3A_846 = arith.constant 2 : i32
        %eq3A_847 = vector.broadcast %eq3A_846 : i32 to vector<16xi32>
        %eq3A_848 = arith.cmpi eq, %add3A_823, %eq3A_847 : vector<16xi32>
        %select_n3A_849 = arith.select %eq3A_848, %gather3A_836, %gather3A_839 : vector<16xi1>, vector<16xf32>
        %select_n3A_850 = arith.select %eq3A_845, %gather3A_833, %select_n3A_849 : vector<16xi1>, vector<16xf32>
        %select_n3A_851 = arith.select %eq3A_842, %gather3A_830, %select_n3A_850 : vector<16xi1>, vector<16xf32>
        %reshape3A_852 = vector.shape_cast %sub3A_827 : vector<16xi32> to vector<16x1xi32>
        %gather3A_853 = vector.shape_cast %reshape3A_852 : vector<16x1xi32> to vector<16xi32>
        %gather3A_854 = tpu.dynamic_gather %get3A_92[%gather3A_853] in [0] : vector<16xf32>, vector<16xi32> -> vector<16xf32>
        %reshape3A_855 = vector.shape_cast %sub3A_827 : vector<16xi32> to vector<16x1xi32>
        %gather3A_856 = vector.shape_cast %reshape3A_855 : vector<16x1xi32> to vector<16xi32>
        %gather3A_857 = tpu.dynamic_gather %get3A_97[%gather3A_856] in [0] : vector<16xf32>, vector<16xi32> -> vector<16xf32>
        %reshape3A_858 = vector.shape_cast %sub3A_827 : vector<16xi32> to vector<16x1xi32>
        %gather3A_859 = vector.shape_cast %reshape3A_858 : vector<16x1xi32> to vector<16xi32>
        %gather3A_860 = tpu.dynamic_gather %get3A_102[%gather3A_859] in [0] : vector<16xf32>, vector<16xi32> -> vector<16xf32>
        %reshape3A_861 = vector.shape_cast %sub3A_827 : vector<16xi32> to vector<16x1xi32>
        %gather3A_862 = vector.shape_cast %reshape3A_861 : vector<16x1xi32> to vector<16xi32>
        %gather3A_863 = tpu.dynamic_gather %get3A_107[%gather3A_862] in [0] : vector<16xf32>, vector<16xi32> -> vector<16xf32>
        %eq3A_864 = arith.constant 0 : i32
        %eq3A_865 = vector.broadcast %eq3A_864 : i32 to vector<16xi32>
        %eq3A_866 = arith.cmpi eq, %add3A_823, %eq3A_865 : vector<16xi32>
        %eq3A_867 = arith.constant 1 : i32
        %eq3A_868 = vector.broadcast %eq3A_867 : i32 to vector<16xi32>
        %eq3A_869 = arith.cmpi eq, %add3A_823, %eq3A_868 : vector<16xi32>
        %eq3A_870 = arith.constant 2 : i32
        %eq3A_871 = vector.broadcast %eq3A_870 : i32 to vector<16xi32>
        %eq3A_872 = arith.cmpi eq, %add3A_823, %eq3A_871 : vector<16xi32>
        %select_n3A_873 = arith.select %eq3A_872, %gather3A_860, %gather3A_863 : vector<16xi1>, vector<16xf32>
        %select_n3A_874 = arith.select %eq3A_869, %gather3A_857, %select_n3A_873 : vector<16xi1>, vector<16xf32>
        %select_n3A_875 = arith.select %eq3A_866, %gather3A_854, %select_n3A_874 : vector<16xi1>, vector<16xf32>
        %mul3A_876 = arith.mulf %select_n3A_875, %get3A_659 : vector<16xf32>
        %add3A_877 = arith.addf %select_n3A_851, %mul3A_876 : vector<16xf32>
        %add3A_878 = arith.constant 32 : i32
        %add3A_879 = arith.addi %mul3A_48, %add3A_878 : i32
        %swap3A_880 = arith.index_cast %add3A_879 : i32 to index
        %swap3A_881 = tpu.vector_load %arg14[%swap3A_880] {strides = array<i32>} : memref<8192xf32, #tpu.memory_space<vmem>>, vector<16xf32>,
        %swap3A_882 = vector.shape_cast %swap3A_881 : vector<16xf32> to vector<16xf32>
        %swap3A_883 = vector.shape_cast %add3A_877 : vector<16xf32> to vector<16xf32>
        tpu.vector_store %arg14[%swap3A_880], %swap3A_883 {strides = array<i32>} : memref<8192xf32, #tpu.memory_space<vmem>>, vector<16xf32>,
        %mul3A_884 = arith.mulf %add3A_877, %gather3A_143 : vector<16xf32>
        %add3A_885 = arith.addf %mul3A_884, %gather3A_128 : vector<16xf32>
        %add3A_886 = arith.constant 32 : i32
        %add3A_887 = arith.addi %mul3A_48, %add3A_886 : i32
        %swap3A_888 = arith.index_cast %add3A_887 : i32 to index
        %swap3A_889 = tpu.vector_load %arg15[%swap3A_888] {strides = array<i32>} : memref<24576xf32, #tpu.memory_space<vmem>>, vector<16xf32>,
        %swap3A_890 = vector.shape_cast %swap3A_889 : vector<16xf32> to vector<16xf32>
        %swap3A_891 = vector.shape_cast %add3A_885 : vector<16xf32> to vector<16xf32>
        tpu.vector_store %arg15[%swap3A_888], %swap3A_891 {strides = array<i32>} : memref<24576xf32, #tpu.memory_space<vmem>>, vector<16xf32>,
        %mul3A_892 = arith.mulf %add3A_877, %gather3A_148 : vector<16xf32>
        %add3A_893 = arith.addf %mul3A_892, %gather3A_133 : vector<16xf32>
        %add3A_894 = arith.constant 8192 : i32
        %add3A_895 = arith.addi %add3A_894, %mul3A_48 : i32
        %add3A_896 = arith.constant 32 : i32
        %add3A_897 = arith.addi %add3A_895, %add3A_896 : i32
        %swap3A_898 = arith.index_cast %add3A_897 : i32 to index
        %swap3A_899 = tpu.vector_load %arg15[%swap3A_898] {strides = array<i32>} : memref<24576xf32, #tpu.memory_space<vmem>>, vector<16xf32>,
        %swap3A_900 = vector.shape_cast %swap3A_899 : vector<16xf32> to vector<16xf32>
        %swap3A_901 = vector.shape_cast %add3A_893 : vector<16xf32> to vector<16xf32>
        tpu.vector_store %arg15[%swap3A_898], %swap3A_901 {strides = array<i32>} : memref<24576xf32, #tpu.memory_space<vmem>>, vector<16xf32>,
        %mul3A_902 = arith.mulf %add3A_877, %gather3A_153 : vector<16xf32>
        %add3A_903 = arith.addf %mul3A_902, %gather3A_138 : vector<16xf32>
        %add3A_904 = arith.constant 16384 : i32
        %add3A_905 = arith.addi %add3A_904, %mul3A_48 : i32
        %add3A_906 = arith.constant 32 : i32
        %add3A_907 = arith.addi %add3A_905, %add3A_906 : i32
        %swap3A_908 = arith.index_cast %add3A_907 : i32 to index
        %swap3A_909 = tpu.vector_load %arg15[%swap3A_908] {strides = array<i32>} : memref<24576xf32, #tpu.memory_space<vmem>>, vector<16xf32>,
        %swap3A_910 = vector.shape_cast %swap3A_909 : vector<16xf32> to vector<16xf32>
        %swap3A_911 = vector.shape_cast %add3A_903 : vector<16xf32> to vector<16xf32>
        tpu.vector_store %arg15[%swap3A_908], %swap3A_911 {strides = array<i32>} : memref<24576xf32, #tpu.memory_space<vmem>>, vector<16xf32>,
        %get3A_912 = arith.constant 48 : index
        %get3A_913 = tpu.vector_load %arg9[%get3A_912] {strides = array<i32>} : memref<64xf32, #tpu.memory_space<vmem>>, vector<16xf32>,
        %get3A_914 = vector.shape_cast %get3A_913 : vector<16xf32> to vector<16xf32>
        %broadcast_in_dim3A_915 = arith.constant 0 : i32
        %broadcast_in_dim3A_916 = vector.broadcast %broadcast_in_dim3A_915 : i32 to vector<16xi32>
        %broadcast_in_dim3A_917 = arith.constant 1 : i32
        %broadcast_in_dim3A_918 = vector.broadcast %broadcast_in_dim3A_917 : i32 to vector<16xi32>
        %lt3A_919 = arith.cmpf olt, %gather3A_109, %get3A_914 : vector<16xf32>
        %select_n3A_920 = arith.select %lt3A_919, %broadcast_in_dim3A_918, %broadcast_in_dim3A_916 : vector<16xi1>, vector<16xi32>
        %lt3A_921 = arith.cmpf olt, %gather3A_112, %get3A_914 : vector<16xf32>
        %select_n3A_922 = arith.select %lt3A_921, %broadcast_in_dim3A_918, %broadcast_in_dim3A_916 : vector<16xi1>, vector<16xi32>
        %add3A_923 = arith.addi %select_n3A_920, %select_n3A_922 : vector<16xi32>
        %lt3A_924 = arith.cmpf olt, %gather3A_115, %get3A_914 : vector<16xf32>
        %select_n3A_925 = arith.select %lt3A_924, %broadcast_in_dim3A_918, %broadcast_in_dim3A_916 : vector<16xi1>, vector<16xi32>
        %add3A_926 = arith.addi %add3A_923, %select_n3A_925 : vector<16xi32>
        %broadcast_in_dim3A_927 = arith.constant 0 : i32
        %broadcast_in_dim3A_928 = vector.broadcast %broadcast_in_dim3A_927 : i32 to vector<16xi32>
        %add3A_929 = arith.constant 7 : i32
        %add3A_930 = vector.broadcast %add3A_929 : i32 to vector<16xi32>
        %add3A_931 = arith.addi %broadcast_in_dim3A_928, %add3A_930 : vector<16xi32>
        %reshape3A_932 = vector.shape_cast %add3A_931 : vector<16xi32> to vector<16x1xi32>
        %gather3A_933 = vector.shape_cast %reshape3A_932 : vector<16x1xi32> to vector<16xi32>
        %gather3A_934 = tpu.dynamic_gather %get3A_52[%gather3A_933] in [0] : vector<16xf32>, vector<16xi32> -> vector<16xf32>
        %reshape3A_935 = vector.shape_cast %add3A_931 : vector<16xi32> to vector<16x1xi32>
        %gather3A_936 = vector.shape_cast %reshape3A_935 : vector<16x1xi32> to vector<16xi32>
        %gather3A_937 = tpu.dynamic_gather %get3A_57[%gather3A_936] in [0] : vector<16xf32>, vector<16xi32> -> vector<16xf32>
        %reshape3A_938 = vector.shape_cast %add3A_931 : vector<16xi32> to vector<16x1xi32>
        %gather3A_939 = vector.shape_cast %reshape3A_938 : vector<16x1xi32> to vector<16xi32>
        %gather3A_940 = tpu.dynamic_gather %get3A_62[%gather3A_939] in [0] : vector<16xf32>, vector<16xi32> -> vector<16xf32>
        %reshape3A_941 = vector.shape_cast %add3A_931 : vector<16xi32> to vector<16x1xi32>
        %gather3A_942 = vector.shape_cast %reshape3A_941 : vector<16x1xi32> to vector<16xi32>
        %gather3A_943 = tpu.dynamic_gather %get3A_67[%gather3A_942] in [0] : vector<16xf32>, vector<16xi32> -> vector<16xf32>
        %eq3A_944 = arith.constant 0 : i32
        %eq3A_945 = vector.broadcast %eq3A_944 : i32 to vector<16xi32>
        %eq3A_946 = arith.cmpi eq, %add3A_926, %eq3A_945 : vector<16xi32>
        %eq3A_947 = arith.constant 1 : i32
        %eq3A_948 = vector.broadcast %eq3A_947 : i32 to vector<16xi32>
        %eq3A_949 = arith.cmpi eq, %add3A_926, %eq3A_948 : vector<16xi32>
        %eq3A_950 = arith.constant 2 : i32
        %eq3A_951 = vector.broadcast %eq3A_950 : i32 to vector<16xi32>
        %eq3A_952 = arith.cmpi eq, %add3A_926, %eq3A_951 : vector<16xi32>
        %select_n3A_953 = arith.select %eq3A_952, %gather3A_940, %gather3A_943 : vector<16xi1>, vector<16xf32>
        %select_n3A_954 = arith.select %eq3A_949, %gather3A_937, %select_n3A_953 : vector<16xi1>, vector<16xf32>
        %select_n3A_955 = arith.select %eq3A_946, %gather3A_934, %select_n3A_954 : vector<16xi1>, vector<16xf32>
        %lt3A_956 = arith.cmpf olt, %select_n3A_955, %get3A_914 : vector<16xf32>
        %add3A_957 = arith.constant 8 : i32
        %add3A_958 = vector.broadcast %add3A_957 : i32 to vector<16xi32>
        %add3A_959 = arith.addi %broadcast_in_dim3A_928, %add3A_958 : vector<16xi32>
        %select_n3A_960 = arith.select %lt3A_956, %add3A_959, %broadcast_in_dim3A_928 : vector<16xi1>, vector<16xi32>
        %add3A_961 = arith.constant 3 : i32
        %add3A_962 = vector.broadcast %add3A_961 : i32 to vector<16xi32>
        %add3A_963 = arith.addi %select_n3A_960, %add3A_962 : vector<16xi32>
        %reshape3A_964 = vector.shape_cast %add3A_963 : vector<16xi32> to vector<16x1xi32>
        %gather3A_965 = vector.shape_cast %reshape3A_964 : vector<16x1xi32> to vector<16xi32>
        %gather3A_966 = tpu.dynamic_gather %get3A_52[%gather3A_965] in [0] : vector<16xf32>, vector<16xi32> -> vector<16xf32>
        %reshape3A_967 = vector.shape_cast %add3A_963 : vector<16xi32> to vector<16x1xi32>
        %gather3A_968 = vector.shape_cast %reshape3A_967 : vector<16x1xi32> to vector<16xi32>
        %gather3A_969 = tpu.dynamic_gather %get3A_57[%gather3A_968] in [0] : vector<16xf32>, vector<16xi32> -> vector<16xf32>
        %reshape3A_970 = vector.shape_cast %add3A_963 : vector<16xi32> to vector<16x1xi32>
        %gather3A_971 = vector.shape_cast %reshape3A_970 : vector<16x1xi32> to vector<16xi32>
        %gather3A_972 = tpu.dynamic_gather %get3A_62[%gather3A_971] in [0] : vector<16xf32>, vector<16xi32> -> vector<16xf32>
        %reshape3A_973 = vector.shape_cast %add3A_963 : vector<16xi32> to vector<16x1xi32>
        %gather3A_974 = vector.shape_cast %reshape3A_973 : vector<16x1xi32> to vector<16xi32>
        %gather3A_975 = tpu.dynamic_gather %get3A_67[%gather3A_974] in [0] : vector<16xf32>, vector<16xi32> -> vector<16xf32>
        %eq3A_976 = arith.constant 0 : i32
        %eq3A_977 = vector.broadcast %eq3A_976 : i32 to vector<16xi32>
        %eq3A_978 = arith.cmpi eq, %add3A_926, %eq3A_977 : vector<16xi32>
        %eq3A_979 = arith.constant 1 : i32
        %eq3A_980 = vector.broadcast %eq3A_979 : i32 to vector<16xi32>
        %eq3A_981 = arith.cmpi eq, %add3A_926, %eq3A_980 : vector<16xi32>
        %eq3A_982 = arith.constant 2 : i32
        %eq3A_983 = vector.broadcast %eq3A_982 : i32 to vector<16xi32>
        %eq3A_984 = arith.cmpi eq, %add3A_926, %eq3A_983 : vector<16xi32>
        %select_n3A_985 = arith.select %eq3A_984, %gather3A_972, %gather3A_975 : vector<16xi1>, vector<16xf32>
        %select_n3A_986 = arith.select %eq3A_981, %gather3A_969, %select_n3A_985 : vector<16xi1>, vector<16xf32>
        %select_n3A_987 = arith.select %eq3A_978, %gather3A_966, %select_n3A_986 : vector<16xi1>, vector<16xf32>
        %lt3A_988 = arith.cmpf olt, %select_n3A_987, %get3A_914 : vector<16xf32>
        %add3A_989 = arith.constant 4 : i32
        %add3A_990 = vector.broadcast %add3A_989 : i32 to vector<16xi32>
        %add3A_991 = arith.addi %select_n3A_960, %add3A_990 : vector<16xi32>
        %select_n3A_992 = arith.select %lt3A_988, %add3A_991, %select_n3A_960 : vector<16xi1>, vector<16xi32>
        %add3A_993 = arith.constant 1 : i32
        %add3A_994 = vector.broadcast %add3A_993 : i32 to vector<16xi32>
        %add3A_995 = arith.addi %select_n3A_992, %add3A_994 : vector<16xi32>
        %reshape3A_996 = vector.shape_cast %add3A_995 : vector<16xi32> to vector<16x1xi32>
        %gather3A_997 = vector.shape_cast %reshape3A_996 : vector<16x1xi32> to vector<16xi32>
        %gather3A_998 = tpu.dynamic_gather %get3A_52[%gather3A_997] in [0] : vector<16xf32>, vector<16xi32> -> vector<16xf32>
        %reshape3A_999 = vector.shape_cast %add3A_995 : vector<16xi32> to vector<16x1xi32>
        %gather3A_1000 = vector.shape_cast %reshape3A_999 : vector<16x1xi32> to vector<16xi32>
        %gather3A_1001 = tpu.dynamic_gather %get3A_57[%gather3A_1000] in [0] : vector<16xf32>, vector<16xi32> -> vector<16xf32>
        %reshape3A_1002 = vector.shape_cast %add3A_995 : vector<16xi32> to vector<16x1xi32>
        %gather3A_1003 = vector.shape_cast %reshape3A_1002 : vector<16x1xi32> to vector<16xi32>
        %gather3A_1004 = tpu.dynamic_gather %get3A_62[%gather3A_1003] in [0] : vector<16xf32>, vector<16xi32> -> vector<16xf32>
        %reshape3A_1005 = vector.shape_cast %add3A_995 : vector<16xi32> to vector<16x1xi32>
        %gather3A_1006 = vector.shape_cast %reshape3A_1005 : vector<16x1xi32> to vector<16xi32>
        %gather3A_1007 = tpu.dynamic_gather %get3A_67[%gather3A_1006] in [0] : vector<16xf32>, vector<16xi32> -> vector<16xf32>
        %eq3A_1008 = arith.constant 0 : i32
        %eq3A_1009 = vector.broadcast %eq3A_1008 : i32 to vector<16xi32>
        %eq3A_1010 = arith.cmpi eq, %add3A_926, %eq3A_1009 : vector<16xi32>
        %eq3A_1011 = arith.constant 1 : i32
        %eq3A_1012 = vector.broadcast %eq3A_1011 : i32 to vector<16xi32>
        %eq3A_1013 = arith.cmpi eq, %add3A_926, %eq3A_1012 : vector<16xi32>
        %eq3A_1014 = arith.constant 2 : i32
        %eq3A_1015 = vector.broadcast %eq3A_1014 : i32 to vector<16xi32>
        %eq3A_1016 = arith.cmpi eq, %add3A_926, %eq3A_1015 : vector<16xi32>
        %select_n3A_1017 = arith.select %eq3A_1016, %gather3A_1004, %gather3A_1007 : vector<16xi1>, vector<16xf32>
        %select_n3A_1018 = arith.select %eq3A_1013, %gather3A_1001, %select_n3A_1017 : vector<16xi1>, vector<16xf32>
        %select_n3A_1019 = arith.select %eq3A_1010, %gather3A_998, %select_n3A_1018 : vector<16xi1>, vector<16xf32>
        %lt3A_1020 = arith.cmpf olt, %select_n3A_1019, %get3A_914 : vector<16xf32>
        %add3A_1021 = arith.constant 2 : i32
        %add3A_1022 = vector.broadcast %add3A_1021 : i32 to vector<16xi32>
        %add3A_1023 = arith.addi %select_n3A_992, %add3A_1022 : vector<16xi32>
        %select_n3A_1024 = arith.select %lt3A_1020, %add3A_1023, %select_n3A_992 : vector<16xi1>, vector<16xi32>
        %add3A_1025 = arith.constant 0 : i32
        %add3A_1026 = vector.broadcast %add3A_1025 : i32 to vector<16xi32>
        %add3A_1027 = arith.addi %select_n3A_1024, %add3A_1026 : vector<16xi32>
        %reshape3A_1028 = vector.shape_cast %add3A_1027 : vector<16xi32> to vector<16x1xi32>
        %gather3A_1029 = vector.shape_cast %reshape3A_1028 : vector<16x1xi32> to vector<16xi32>
        %gather3A_1030 = tpu.dynamic_gather %get3A_52[%gather3A_1029] in [0] : vector<16xf32>, vector<16xi32> -> vector<16xf32>
        %reshape3A_1031 = vector.shape_cast %add3A_1027 : vector<16xi32> to vector<16x1xi32>
        %gather3A_1032 = vector.shape_cast %reshape3A_1031 : vector<16x1xi32> to vector<16xi32>
        %gather3A_1033 = tpu.dynamic_gather %get3A_57[%gather3A_1032] in [0] : vector<16xf32>, vector<16xi32> -> vector<16xf32>
        %reshape3A_1034 = vector.shape_cast %add3A_1027 : vector<16xi32> to vector<16x1xi32>
        %gather3A_1035 = vector.shape_cast %reshape3A_1034 : vector<16x1xi32> to vector<16xi32>
        %gather3A_1036 = tpu.dynamic_gather %get3A_62[%gather3A_1035] in [0] : vector<16xf32>, vector<16xi32> -> vector<16xf32>
        %reshape3A_1037 = vector.shape_cast %add3A_1027 : vector<16xi32> to vector<16x1xi32>
        %gather3A_1038 = vector.shape_cast %reshape3A_1037 : vector<16x1xi32> to vector<16xi32>
        %gather3A_1039 = tpu.dynamic_gather %get3A_67[%gather3A_1038] in [0] : vector<16xf32>, vector<16xi32> -> vector<16xf32>
        %eq3A_1040 = arith.constant 0 : i32
        %eq3A_1041 = vector.broadcast %eq3A_1040 : i32 to vector<16xi32>
        %eq3A_1042 = arith.cmpi eq, %add3A_926, %eq3A_1041 : vector<16xi32>
        %eq3A_1043 = arith.constant 1 : i32
        %eq3A_1044 = vector.broadcast %eq3A_1043 : i32 to vector<16xi32>
        %eq3A_1045 = arith.cmpi eq, %add3A_926, %eq3A_1044 : vector<16xi32>
        %eq3A_1046 = arith.constant 2 : i32
        %eq3A_1047 = vector.broadcast %eq3A_1046 : i32 to vector<16xi32>
        %eq3A_1048 = arith.cmpi eq, %add3A_926, %eq3A_1047 : vector<16xi32>
        %select_n3A_1049 = arith.select %eq3A_1048, %gather3A_1036, %gather3A_1039 : vector<16xi1>, vector<16xf32>
        %select_n3A_1050 = arith.select %eq3A_1045, %gather3A_1033, %select_n3A_1049 : vector<16xi1>, vector<16xf32>
        %select_n3A_1051 = arith.select %eq3A_1042, %gather3A_1030, %select_n3A_1050 : vector<16xi1>, vector<16xf32>
        %lt3A_1052 = arith.cmpf olt, %select_n3A_1051, %get3A_914 : vector<16xf32>
        %add3A_1053 = arith.constant 1 : i32
        %add3A_1054 = vector.broadcast %add3A_1053 : i32 to vector<16xi32>
        %add3A_1055 = arith.addi %select_n3A_1024, %add3A_1054 : vector<16xi32>
        %select_n3A_1056 = arith.select %lt3A_1052, %add3A_1055, %select_n3A_1024 : vector<16xi1>, vector<16xi32>
        %mul3A_1057 = arith.constant 16 : i32
        %mul3A_1058 = vector.broadcast %mul3A_1057 : i32 to vector<16xi32>
        %mul3A_1059 = arith.muli %add3A_926, %mul3A_1058 : vector<16xi32>
        %add3A_1060 = arith.addi %mul3A_1059, %select_n3A_1056 : vector<16xi32>
        %lt3A_1061 = arith.cmpf olt, %gather3A_118, %get3A_914 : vector<16xf32>
        %max3A_1062 = arith.maxsi %add3A_1060, %broadcast_in_dim3A_918 : vector<16xi32>
        %sub3A_1063 = arith.subi %max3A_1062, %broadcast_in_dim3A_918 : vector<16xi32>
        %select_n3A_1064 = arith.select %lt3A_1061, %broadcast_in_dim3A_916, %sub3A_1063 : vector<16xi1>, vector<16xi32>
        %ge3A_1065 = arith.constant 16 : i32
        %ge3A_1066 = vector.broadcast %ge3A_1065 : i32 to vector<16xi32>
        %ge3A_1067 = arith.cmpi sge, %select_n3A_1064, %ge3A_1066 : vector<16xi32>
        %select_n3A_1068 = arith.select %ge3A_1067, %broadcast_in_dim3A_918, %broadcast_in_dim3A_916 : vector<16xi1>, vector<16xi32>
        %ge3A_1069 = arith.constant 32 : i32
        %ge3A_1070 = vector.broadcast %ge3A_1069 : i32 to vector<16xi32>
        %ge3A_1071 = arith.cmpi sge, %select_n3A_1064, %ge3A_1070 : vector<16xi32>
        %select_n3A_1072 = arith.select %ge3A_1071, %broadcast_in_dim3A_918, %broadcast_in_dim3A_916 : vector<16xi1>, vector<16xi32>
        %add3A_1073 = arith.addi %select_n3A_1068, %select_n3A_1072 : vector<16xi32>
        %ge3A_1074 = arith.constant 48 : i32
        %ge3A_1075 = vector.broadcast %ge3A_1074 : i32 to vector<16xi32>
        %ge3A_1076 = arith.cmpi sge, %select_n3A_1064, %ge3A_1075 : vector<16xi32>
        %select_n3A_1077 = arith.select %ge3A_1076, %broadcast_in_dim3A_918, %broadcast_in_dim3A_916 : vector<16xi1>, vector<16xi32>
        %add3A_1078 = arith.addi %add3A_1073, %select_n3A_1077 : vector<16xi32>
        %mul3A_1079 = arith.constant 16 : i32
        %mul3A_1080 = vector.broadcast %mul3A_1079 : i32 to vector<16xi32>
        %mul3A_1081 = arith.muli %add3A_1078, %mul3A_1080 : vector<16xi32>
        %sub3A_1082 = arith.subi %select_n3A_1064, %mul3A_1081 : vector<16xi32>
        %reshape3A_1083 = vector.shape_cast %sub3A_1082 : vector<16xi32> to vector<16x1xi32>
        %gather3A_1084 = vector.shape_cast %reshape3A_1083 : vector<16x1xi32> to vector<16xi32>
        %gather3A_1085 = tpu.dynamic_gather %get3A_72[%gather3A_1084] in [0] : vector<16xf32>, vector<16xi32> -> vector<16xf32>
        %reshape3A_1086 = vector.shape_cast %sub3A_1082 : vector<16xi32> to vector<16x1xi32>
        %gather3A_1087 = vector.shape_cast %reshape3A_1086 : vector<16x1xi32> to vector<16xi32>
        %gather3A_1088 = tpu.dynamic_gather %get3A_77[%gather3A_1087] in [0] : vector<16xf32>, vector<16xi32> -> vector<16xf32>
        %reshape3A_1089 = vector.shape_cast %sub3A_1082 : vector<16xi32> to vector<16x1xi32>
        %gather3A_1090 = vector.shape_cast %reshape3A_1089 : vector<16x1xi32> to vector<16xi32>
        %gather3A_1091 = tpu.dynamic_gather %get3A_82[%gather3A_1090] in [0] : vector<16xf32>, vector<16xi32> -> vector<16xf32>
        %reshape3A_1092 = vector.shape_cast %sub3A_1082 : vector<16xi32> to vector<16x1xi32>
        %gather3A_1093 = vector.shape_cast %reshape3A_1092 : vector<16x1xi32> to vector<16xi32>
        %gather3A_1094 = tpu.dynamic_gather %get3A_87[%gather3A_1093] in [0] : vector<16xf32>, vector<16xi32> -> vector<16xf32>
        %eq3A_1095 = arith.constant 0 : i32
        %eq3A_1096 = vector.broadcast %eq3A_1095 : i32 to vector<16xi32>
        %eq3A_1097 = arith.cmpi eq, %add3A_1078, %eq3A_1096 : vector<16xi32>
        %eq3A_1098 = arith.constant 1 : i32
        %eq3A_1099 = vector.broadcast %eq3A_1098 : i32 to vector<16xi32>
        %eq3A_1100 = arith.cmpi eq, %add3A_1078, %eq3A_1099 : vector<16xi32>
        %eq3A_1101 = arith.constant 2 : i32
        %eq3A_1102 = vector.broadcast %eq3A_1101 : i32 to vector<16xi32>
        %eq3A_1103 = arith.cmpi eq, %add3A_1078, %eq3A_1102 : vector<16xi32>
        %select_n3A_1104 = arith.select %eq3A_1103, %gather3A_1091, %gather3A_1094 : vector<16xi1>, vector<16xf32>
        %select_n3A_1105 = arith.select %eq3A_1100, %gather3A_1088, %select_n3A_1104 : vector<16xi1>, vector<16xf32>
        %select_n3A_1106 = arith.select %eq3A_1097, %gather3A_1085, %select_n3A_1105 : vector<16xi1>, vector<16xf32>
        %reshape3A_1107 = vector.shape_cast %sub3A_1082 : vector<16xi32> to vector<16x1xi32>
        %gather3A_1108 = vector.shape_cast %reshape3A_1107 : vector<16x1xi32> to vector<16xi32>
        %gather3A_1109 = tpu.dynamic_gather %get3A_92[%gather3A_1108] in [0] : vector<16xf32>, vector<16xi32> -> vector<16xf32>
        %reshape3A_1110 = vector.shape_cast %sub3A_1082 : vector<16xi32> to vector<16x1xi32>
        %gather3A_1111 = vector.shape_cast %reshape3A_1110 : vector<16x1xi32> to vector<16xi32>
        %gather3A_1112 = tpu.dynamic_gather %get3A_97[%gather3A_1111] in [0] : vector<16xf32>, vector<16xi32> -> vector<16xf32>
        %reshape3A_1113 = vector.shape_cast %sub3A_1082 : vector<16xi32> to vector<16x1xi32>
        %gather3A_1114 = vector.shape_cast %reshape3A_1113 : vector<16x1xi32> to vector<16xi32>
        %gather3A_1115 = tpu.dynamic_gather %get3A_102[%gather3A_1114] in [0] : vector<16xf32>, vector<16xi32> -> vector<16xf32>
        %reshape3A_1116 = vector.shape_cast %sub3A_1082 : vector<16xi32> to vector<16x1xi32>
        %gather3A_1117 = vector.shape_cast %reshape3A_1116 : vector<16x1xi32> to vector<16xi32>
        %gather3A_1118 = tpu.dynamic_gather %get3A_107[%gather3A_1117] in [0] : vector<16xf32>, vector<16xi32> -> vector<16xf32>
        %eq3A_1119 = arith.constant 0 : i32
        %eq3A_1120 = vector.broadcast %eq3A_1119 : i32 to vector<16xi32>
        %eq3A_1121 = arith.cmpi eq, %add3A_1078, %eq3A_1120 : vector<16xi32>
        %eq3A_1122 = arith.constant 1 : i32
        %eq3A_1123 = vector.broadcast %eq3A_1122 : i32 to vector<16xi32>
        %eq3A_1124 = arith.cmpi eq, %add3A_1078, %eq3A_1123 : vector<16xi32>
        %eq3A_1125 = arith.constant 2 : i32
        %eq3A_1126 = vector.broadcast %eq3A_1125 : i32 to vector<16xi32>
        %eq3A_1127 = arith.cmpi eq, %add3A_1078, %eq3A_1126 : vector<16xi32>
        %select_n3A_1128 = arith.select %eq3A_1127, %gather3A_1115, %gather3A_1118 : vector<16xi1>, vector<16xf32>
        %select_n3A_1129 = arith.select %eq3A_1124, %gather3A_1112, %select_n3A_1128 : vector<16xi1>, vector<16xf32>
        %select_n3A_1130 = arith.select %eq3A_1121, %gather3A_1109, %select_n3A_1129 : vector<16xi1>, vector<16xf32>
        %mul3A_1131 = arith.mulf %select_n3A_1130, %get3A_914 : vector<16xf32>
        %add3A_1132 = arith.addf %select_n3A_1106, %mul3A_1131 : vector<16xf32>
        %add3A_1133 = arith.constant 48 : i32
        %add3A_1134 = arith.addi %mul3A_48, %add3A_1133 : i32
        %swap3A_1135 = arith.index_cast %add3A_1134 : i32 to index
        %swap3A_1136 = tpu.vector_load %arg14[%swap3A_1135] {strides = array<i32>} : memref<8192xf32, #tpu.memory_space<vmem>>, vector<16xf32>,
        %swap3A_1137 = vector.shape_cast %swap3A_1136 : vector<16xf32> to vector<16xf32>
        %swap3A_1138 = vector.shape_cast %add3A_1132 : vector<16xf32> to vector<16xf32>
        tpu.vector_store %arg14[%swap3A_1135], %swap3A_1138 {strides = array<i32>} : memref<8192xf32, #tpu.memory_space<vmem>>, vector<16xf32>,
        %mul3A_1139 = arith.mulf %add3A_1132, %gather3A_143 : vector<16xf32>
        %add3A_1140 = arith.addf %mul3A_1139, %gather3A_128 : vector<16xf32>
        %add3A_1141 = arith.constant 48 : i32
        %add3A_1142 = arith.addi %mul3A_48, %add3A_1141 : i32
        %swap3A_1143 = arith.index_cast %add3A_1142 : i32 to index
        %swap3A_1144 = tpu.vector_load %arg15[%swap3A_1143] {strides = array<i32>} : memref<24576xf32, #tpu.memory_space<vmem>>, vector<16xf32>,
        %swap3A_1145 = vector.shape_cast %swap3A_1144 : vector<16xf32> to vector<16xf32>
        %swap3A_1146 = vector.shape_cast %add3A_1140 : vector<16xf32> to vector<16xf32>
        tpu.vector_store %arg15[%swap3A_1143], %swap3A_1146 {strides = array<i32>} : memref<24576xf32, #tpu.memory_space<vmem>>, vector<16xf32>,
        %mul3A_1147 = arith.mulf %add3A_1132, %gather3A_148 : vector<16xf32>
        %add3A_1148 = arith.addf %mul3A_1147, %gather3A_133 : vector<16xf32>
        %add3A_1149 = arith.constant 8192 : i32
        %add3A_1150 = arith.addi %add3A_1149, %mul3A_48 : i32
        %add3A_1151 = arith.constant 48 : i32
        %add3A_1152 = arith.addi %add3A_1150, %add3A_1151 : i32
        %swap3A_1153 = arith.index_cast %add3A_1152 : i32 to index
        %swap3A_1154 = tpu.vector_load %arg15[%swap3A_1153] {strides = array<i32>} : memref<24576xf32, #tpu.memory_space<vmem>>, vector<16xf32>,
        %swap3A_1155 = vector.shape_cast %swap3A_1154 : vector<16xf32> to vector<16xf32>
        %swap3A_1156 = vector.shape_cast %add3A_1148 : vector<16xf32> to vector<16xf32>
        tpu.vector_store %arg15[%swap3A_1153], %swap3A_1156 {strides = array<i32>} : memref<24576xf32, #tpu.memory_space<vmem>>, vector<16xf32>,
        %mul3A_1157 = arith.mulf %add3A_1132, %gather3A_153 : vector<16xf32>
        %add3A_1158 = arith.addf %mul3A_1157, %gather3A_138 : vector<16xf32>
        %add3A_1159 = arith.constant 16384 : i32
        %add3A_1160 = arith.addi %add3A_1159, %mul3A_48 : i32
        %add3A_1161 = arith.constant 48 : i32
        %add3A_1162 = arith.addi %add3A_1160, %add3A_1161 : i32
        %swap3A_1163 = arith.index_cast %add3A_1162 : i32 to index
        %swap3A_1164 = tpu.vector_load %arg15[%swap3A_1163] {strides = array<i32>} : memref<24576xf32, #tpu.memory_space<vmem>>, vector<16xf32>,
        %swap3A_1165 = vector.shape_cast %swap3A_1164 : vector<16xf32> to vector<16xf32>
        %swap3A_1166 = vector.shape_cast %add3A_1158 : vector<16xf32> to vector<16xf32>
        tpu.vector_store %arg15[%swap3A_1163], %swap3A_1166 {strides = array<i32>} : memref<24576xf32, #tpu.memory_space<vmem>>, vector<16xf32>,
      }
      %scan3A_27 = arith.constant 128 : i32
      %mul3A_28 = arith.constant 64 : i32
      %mul3A_29 = arith.muli %add3A_14, %mul3A_28 : i32
      "tpu.region"() ({
        %run_scoped3A = tpu.sem_alloc : memref<!tpu.dma_semaphore, #tpu.memory_space<semaphore_mem>>
        %dma_start3A = tpu.memref_slice %arg7[%mul3A_29] : memref<4194304xf32, #tpu.memory_space<hbm>> -> memref<8192xf32, #tpu.memory_space<hbm>>
        %dma_start3A_42 = tpu.memref_slice %arg7[%mul3A_29] : memref<4194304xf32, #tpu.memory_space<hbm>> -> memref<8192xf32, #tpu.memory_space<hbm>>
        tpu.enqueue_dma source(%arg14 : memref<8192xf32, #tpu.memory_space<vmem>>) target(%dma_start3A_42 : memref<8192xf32, #tpu.memory_space<hbm>>) target_semaphore(%run_scoped3A : memref<!tpu.dma_semaphore, #tpu.memory_space<semaphore_mem>>)
        %dma_wait3A = tpu.memref_slice %arg7[%mul3A_29] : memref<4194304xf32, #tpu.memory_space<hbm>> -> memref<8192xf32, #tpu.memory_space<hbm>>
        %dma_wait3A_43 = tpu.memref_slice %arg7[%mul3A_29] : memref<4194304xf32, #tpu.memory_space<hbm>> -> memref<8192xf32, #tpu.memory_space<hbm>>
        tpu.wait_dma2 semaphore(%run_scoped3A : memref<!tpu.dma_semaphore, #tpu.memory_space<semaphore_mem>>) src(%arg14 : memref<8192xf32, #tpu.memory_space<vmem>>) dst(%dma_wait3A_43 : memref<8192xf32, #tpu.memory_space<hbm>>)
        tpu.yield
      }) : () -> ()
      %mul3A_30 = arith.constant 64 : i32
      %mul3A_31 = arith.muli %add3A_14, %mul3A_30 : i32
      %add3A_32 = arith.constant 0 : i32
      %add3A_33 = arith.addi %add3A_32, %mul3A_31 : i32
      "tpu.region"() ({
        %run_scoped3A = tpu.sem_alloc : memref<!tpu.dma_semaphore, #tpu.memory_space<semaphore_mem>>
        %dma_start3A = arith.constant 0 : i32
        %dma_start3A_42 = tpu.memref_slice %arg15[%dma_start3A] : memref<24576xf32, #tpu.memory_space<vmem>> -> memref<8192xf32, #tpu.memory_space<vmem>>
        %dma_start3A_43 = tpu.memref_slice %arg8[%add3A_33] : memref<12582912xf32, #tpu.memory_space<hbm>> -> memref<8192xf32, #tpu.memory_space<hbm>>
        %dma_start3A_44 = tpu.memref_slice %arg8[%add3A_33] : memref<12582912xf32, #tpu.memory_space<hbm>> -> memref<8192xf32, #tpu.memory_space<hbm>>
        %dma_start3A_45 = arith.constant 0 : i32
        %dma_start3A_46 = tpu.memref_slice %arg15[%dma_start3A_45] : memref<24576xf32, #tpu.memory_space<vmem>> -> memref<8192xf32, #tpu.memory_space<vmem>>
        tpu.enqueue_dma source(%dma_start3A_46 : memref<8192xf32, #tpu.memory_space<vmem>>) target(%dma_start3A_44 : memref<8192xf32, #tpu.memory_space<hbm>>) target_semaphore(%run_scoped3A : memref<!tpu.dma_semaphore, #tpu.memory_space<semaphore_mem>>)
        %dma_wait3A = arith.constant 0 : i32
        %dma_wait3A_47 = tpu.memref_slice %arg15[%dma_wait3A] : memref<24576xf32, #tpu.memory_space<vmem>> -> memref<8192xf32, #tpu.memory_space<vmem>>
        %dma_wait3A_48 = tpu.memref_slice %arg8[%add3A_33] : memref<12582912xf32, #tpu.memory_space<hbm>> -> memref<8192xf32, #tpu.memory_space<hbm>>
        %dma_wait3A_49 = tpu.memref_slice %arg8[%add3A_33] : memref<12582912xf32, #tpu.memory_space<hbm>> -> memref<8192xf32, #tpu.memory_space<hbm>>
        %dma_wait3A_50 = arith.constant 0 : i32
        %dma_wait3A_51 = tpu.memref_slice %arg15[%dma_wait3A_50] : memref<24576xf32, #tpu.memory_space<vmem>> -> memref<8192xf32, #tpu.memory_space<vmem>>
        tpu.wait_dma2 semaphore(%run_scoped3A : memref<!tpu.dma_semaphore, #tpu.memory_space<semaphore_mem>>) src(%dma_wait3A_51 : memref<8192xf32, #tpu.memory_space<vmem>>) dst(%dma_wait3A_49 : memref<8192xf32, #tpu.memory_space<hbm>>)
        tpu.yield
      }) : () -> ()
      %mul3A_34 = arith.constant 64 : i32
      %mul3A_35 = arith.muli %add3A_14, %mul3A_34 : i32
      %add3A_36 = arith.constant 4194304 : i32
      %add3A_37 = arith.addi %add3A_36, %mul3A_35 : i32
      "tpu.region"() ({
        %run_scoped3A = tpu.sem_alloc : memref<!tpu.dma_semaphore, #tpu.memory_space<semaphore_mem>>
        %dma_start3A = arith.constant 8192 : i32
        %dma_start3A_42 = tpu.memref_slice %arg15[%dma_start3A] : memref<24576xf32, #tpu.memory_space<vmem>> -> memref<8192xf32, #tpu.memory_space<vmem>>
        %dma_start3A_43 = tpu.memref_slice %arg8[%add3A_37] : memref<12582912xf32, #tpu.memory_space<hbm>> -> memref<8192xf32, #tpu.memory_space<hbm>>
        %dma_start3A_44 = tpu.memref_slice %arg8[%add3A_37] : memref<12582912xf32, #tpu.memory_space<hbm>> -> memref<8192xf32, #tpu.memory_space<hbm>>
        %dma_start3A_45 = arith.constant 8192 : i32
        %dma_start3A_46 = tpu.memref_slice %arg15[%dma_start3A_45] : memref<24576xf32, #tpu.memory_space<vmem>> -> memref<8192xf32, #tpu.memory_space<vmem>>
        tpu.enqueue_dma source(%dma_start3A_46 : memref<8192xf32, #tpu.memory_space<vmem>>) target(%dma_start3A_44 : memref<8192xf32, #tpu.memory_space<hbm>>) target_semaphore(%run_scoped3A : memref<!tpu.dma_semaphore, #tpu.memory_space<semaphore_mem>>)
        %dma_wait3A = arith.constant 8192 : i32
        %dma_wait3A_47 = tpu.memref_slice %arg15[%dma_wait3A] : memref<24576xf32, #tpu.memory_space<vmem>> -> memref<8192xf32, #tpu.memory_space<vmem>>
        %dma_wait3A_48 = tpu.memref_slice %arg8[%add3A_37] : memref<12582912xf32, #tpu.memory_space<hbm>> -> memref<8192xf32, #tpu.memory_space<hbm>>
        %dma_wait3A_49 = tpu.memref_slice %arg8[%add3A_37] : memref<12582912xf32, #tpu.memory_space<hbm>> -> memref<8192xf32, #tpu.memory_space<hbm>>
        %dma_wait3A_50 = arith.constant 8192 : i32
        %dma_wait3A_51 = tpu.memref_slice %arg15[%dma_wait3A_50] : memref<24576xf32, #tpu.memory_space<vmem>> -> memref<8192xf32, #tpu.memory_space<vmem>>
        tpu.wait_dma2 semaphore(%run_scoped3A : memref<!tpu.dma_semaphore, #tpu.memory_space<semaphore_mem>>) src(%dma_wait3A_51 : memref<8192xf32, #tpu.memory_space<vmem>>) dst(%dma_wait3A_49 : memref<8192xf32, #tpu.memory_space<hbm>>)
        tpu.yield
      }) : () -> ()
      %mul3A_38 = arith.constant 64 : i32
      %mul3A_39 = arith.muli %add3A_14, %mul3A_38 : i32
      %add3A_40 = arith.constant 8388608 : i32
      %add3A_41 = arith.addi %add3A_40, %mul3A_39 : i32
      "tpu.region"() ({
        %run_scoped3A = tpu.sem_alloc : memref<!tpu.dma_semaphore, #tpu.memory_space<semaphore_mem>>
        %dma_start3A = arith.constant 16384 : i32
        %dma_start3A_42 = tpu.memref_slice %arg15[%dma_start3A] : memref<24576xf32, #tpu.memory_space<vmem>> -> memref<8192xf32, #tpu.memory_space<vmem>>
        %dma_start3A_43 = tpu.memref_slice %arg8[%add3A_41] : memref<12582912xf32, #tpu.memory_space<hbm>> -> memref<8192xf32, #tpu.memory_space<hbm>>
        %dma_start3A_44 = tpu.memref_slice %arg8[%add3A_41] : memref<12582912xf32, #tpu.memory_space<hbm>> -> memref<8192xf32, #tpu.memory_space<hbm>>
        %dma_start3A_45 = arith.constant 16384 : i32
        %dma_start3A_46 = tpu.memref_slice %arg15[%dma_start3A_45] : memref<24576xf32, #tpu.memory_space<vmem>> -> memref<8192xf32, #tpu.memory_space<vmem>>
        tpu.enqueue_dma source(%dma_start3A_46 : memref<8192xf32, #tpu.memory_space<vmem>>) target(%dma_start3A_44 : memref<8192xf32, #tpu.memory_space<hbm>>) target_semaphore(%run_scoped3A : memref<!tpu.dma_semaphore, #tpu.memory_space<semaphore_mem>>)
        %dma_wait3A = arith.constant 16384 : i32
        %dma_wait3A_47 = tpu.memref_slice %arg15[%dma_wait3A] : memref<24576xf32, #tpu.memory_space<vmem>> -> memref<8192xf32, #tpu.memory_space<vmem>>
        %dma_wait3A_48 = tpu.memref_slice %arg8[%add3A_41] : memref<12582912xf32, #tpu.memory_space<hbm>> -> memref<8192xf32, #tpu.memory_space<hbm>>
        %dma_wait3A_49 = tpu.memref_slice %arg8[%add3A_41] : memref<12582912xf32, #tpu.memory_space<hbm>> -> memref<8192xf32, #tpu.memory_space<hbm>>
        %dma_wait3A_50 = arith.constant 16384 : i32
        %dma_wait3A_51 = tpu.memref_slice %arg15[%dma_wait3A_50] : memref<24576xf32, #tpu.memory_space<vmem>> -> memref<8192xf32, #tpu.memory_space<vmem>>
        tpu.wait_dma2 semaphore(%run_scoped3A : memref<!tpu.dma_semaphore, #tpu.memory_space<semaphore_mem>>) src(%dma_wait3A_51 : memref<8192xf32, #tpu.memory_space<vmem>>) dst(%dma_wait3A_49 : memref<8192xf32, #tpu.memory_space<hbm>>)
        tpu.yield
      }) : () -> ()
    }
    %scan3A_6 = arith.constant 16 : i32
    return
  }
}

module attributes {stable_mosaic.version = 14 : i64} {
  func.func @_tc_body(%arg0: i32, %arg1: memref<64x256xf32, #tpu.memory_space<vmem>>, %arg2: memref<64x256xf32, #tpu.memory_space<vmem>>, %arg3: memref<64x256xf32, #tpu.memory_space<vmem>>, %arg4: memref<64x256xf32, #tpu.memory_space<vmem>>, %arg5: memref<64x256xf32, #tpu.memory_space<vmem>>) attributes {dimension_semantics = [#tpu.dimension_semantics<arbitrary>], iteration_bounds = array<i64: 256>, scalar_prefetch = 0 : i64, scratch_operands = 0 : i64, tpu.core_type = #tpu.core_type<tc>, window_params = [{transform_indices = @transform_0, window_bounds = array<i64: 64, 256>}, {transform_indices = @transform_1, window_bounds = array<i64: 64, 256>}, {transform_indices = @transform_2, window_bounds = array<i64: 64, 256>}, {transform_indices = @transform_3, window_bounds = array<i64: 64, 256>}, {transform_indices = @transform_4, window_bounds = array<i64: 64, 256>}]} {
    %get3A = arith.constant 0 : index
    %get3A_0 = arith.constant 0 : index
    %get3A_1 = vector.load %arg1[%get3A, %get3A_0] : memref<64x256xf32, #tpu.memory_space<vmem>>, vector<64x256xf32>
    %get3A_2 = arith.constant 0 : index
    %get3A_3 = arith.constant 0 : index
    %get3A_4 = vector.load %arg2[%get3A_2, %get3A_3] : memref<64x256xf32, #tpu.memory_space<vmem>>, vector<64x256xf32>
    %slice3A = vector.extract_strided_slice %get3A_1 {offsets = [1, 0], sizes = [63, 256], strides = [1, 1]} : vector<64x256xf32> to vector<63x256xf32>
    %slice3A_5 = vector.extract_strided_slice %get3A_1 {offsets = [0, 0], sizes = [63, 256], strides = [1, 1]} : vector<64x256xf32> to vector<63x256xf32>
    %sub3A = arith.subf %slice3A, %slice3A_5 : vector<63x256xf32>
    %broadcast_in_dim3A = arith.constant 1.000000e+10 : f32
    %broadcast_in_dim3A_6 = vector.broadcast %broadcast_in_dim3A : f32 to vector<1x256xf32>
    %concatenate3A = tpu.concatenate %sub3A, %broadcast_in_dim3A_6 in 0 : vector<63x256xf32>, vector<1x256xf32> -> vector<64x256xf32>
    %max3A = arith.constant 0.000000e+00 : f32
    %max3A_7 = vector.broadcast %max3A : f32 to vector<64x256xf32>
    %max3A_8 = arith.maximumf %get3A_4, %max3A_7 : vector<64x256xf32>
    %neg3A = arith.constant 0.000000e+00 : f32
    %neg3A_9 = vector.broadcast %neg3A : f32 to vector<64x256xf32>
    %neg3A_10 = arith.subf %neg3A_9, %max3A_8 : vector<64x256xf32>
    %mul3A = arith.mulf %neg3A_10, %concatenate3A : vector<64x256xf32>
    %exp3A = math.exp %mul3A : vector<64x256xf32>
    %sub3A_11 = arith.constant 1.000000e+00 : f32
    %sub3A_12 = vector.broadcast %sub3A_11 : f32 to vector<64x256xf32>
    %sub3A_13 = arith.subf %sub3A_12, %exp3A : vector<64x256xf32>
    %sub3A_14 = arith.constant 1.000000e+00 : f32
    %sub3A_15 = vector.broadcast %sub3A_14 : f32 to vector<64x256xf32>
    %sub3A_16 = arith.subf %sub3A_15, %sub3A_13 : vector<64x256xf32>
    %add3A = arith.constant 1.000000e-10 : f32
    %add3A_17 = vector.broadcast %add3A : f32 to vector<64x256xf32>
    %add3A_18 = arith.addf %sub3A_16, %add3A_17 : vector<64x256xf32>
    %broadcast_in_dim3A_19 = arith.constant 1.000000e+00 : f32
    %broadcast_in_dim3A_20 = vector.broadcast %broadcast_in_dim3A_19 : f32 to vector<1x256xf32>
    %slice3A_21 = vector.extract_strided_slice %add3A_18 {offsets = [0, 0], sizes = [1, 256], strides = [1, 1]} : vector<64x256xf32> to vector<1x256xf32>
    %mul3A_22 = arith.mulf %broadcast_in_dim3A_20, %slice3A_21 : vector<1x256xf32>
    %slice3A_23 = vector.extract_strided_slice %add3A_18 {offsets = [1, 0], sizes = [1, 256], strides = [1, 1]} : vector<64x256xf32> to vector<1x256xf32>
    %mul3A_24 = arith.mulf %mul3A_22, %slice3A_23 : vector<1x256xf32>
    %slice3A_25 = vector.extract_strided_slice %add3A_18 {offsets = [2, 0], sizes = [1, 256], strides = [1, 1]} : vector<64x256xf32> to vector<1x256xf32>
    %mul3A_26 = arith.mulf %mul3A_24, %slice3A_25 : vector<1x256xf32>
    %slice3A_27 = vector.extract_strided_slice %add3A_18 {offsets = [3, 0], sizes = [1, 256], strides = [1, 1]} : vector<64x256xf32> to vector<1x256xf32>
    %mul3A_28 = arith.mulf %mul3A_26, %slice3A_27 : vector<1x256xf32>
    %slice3A_29 = vector.extract_strided_slice %add3A_18 {offsets = [4, 0], sizes = [1, 256], strides = [1, 1]} : vector<64x256xf32> to vector<1x256xf32>
    %mul3A_30 = arith.mulf %mul3A_28, %slice3A_29 : vector<1x256xf32>
    %slice3A_31 = vector.extract_strided_slice %add3A_18 {offsets = [5, 0], sizes = [1, 256], strides = [1, 1]} : vector<64x256xf32> to vector<1x256xf32>
    %mul3A_32 = arith.mulf %mul3A_30, %slice3A_31 : vector<1x256xf32>
    %slice3A_33 = vector.extract_strided_slice %add3A_18 {offsets = [6, 0], sizes = [1, 256], strides = [1, 1]} : vector<64x256xf32> to vector<1x256xf32>
    %mul3A_34 = arith.mulf %mul3A_32, %slice3A_33 : vector<1x256xf32>
    %slice3A_35 = vector.extract_strided_slice %add3A_18 {offsets = [7, 0], sizes = [1, 256], strides = [1, 1]} : vector<64x256xf32> to vector<1x256xf32>
    %mul3A_36 = arith.mulf %mul3A_34, %slice3A_35 : vector<1x256xf32>
    %slice3A_37 = vector.extract_strided_slice %add3A_18 {offsets = [8, 0], sizes = [1, 256], strides = [1, 1]} : vector<64x256xf32> to vector<1x256xf32>
    %mul3A_38 = arith.mulf %mul3A_36, %slice3A_37 : vector<1x256xf32>
    %slice3A_39 = vector.extract_strided_slice %add3A_18 {offsets = [9, 0], sizes = [1, 256], strides = [1, 1]} : vector<64x256xf32> to vector<1x256xf32>
    %mul3A_40 = arith.mulf %mul3A_38, %slice3A_39 : vector<1x256xf32>
    %slice3A_41 = vector.extract_strided_slice %add3A_18 {offsets = [10, 0], sizes = [1, 256], strides = [1, 1]} : vector<64x256xf32> to vector<1x256xf32>
    %mul3A_42 = arith.mulf %mul3A_40, %slice3A_41 : vector<1x256xf32>
    %slice3A_43 = vector.extract_strided_slice %add3A_18 {offsets = [11, 0], sizes = [1, 256], strides = [1, 1]} : vector<64x256xf32> to vector<1x256xf32>
    %mul3A_44 = arith.mulf %mul3A_42, %slice3A_43 : vector<1x256xf32>
    %slice3A_45 = vector.extract_strided_slice %add3A_18 {offsets = [12, 0], sizes = [1, 256], strides = [1, 1]} : vector<64x256xf32> to vector<1x256xf32>
    %mul3A_46 = arith.mulf %mul3A_44, %slice3A_45 : vector<1x256xf32>
    %slice3A_47 = vector.extract_strided_slice %add3A_18 {offsets = [13, 0], sizes = [1, 256], strides = [1, 1]} : vector<64x256xf32> to vector<1x256xf32>
    %mul3A_48 = arith.mulf %mul3A_46, %slice3A_47 : vector<1x256xf32>
    %slice3A_49 = vector.extract_strided_slice %add3A_18 {offsets = [14, 0], sizes = [1, 256], strides = [1, 1]} : vector<64x256xf32> to vector<1x256xf32>
    %mul3A_50 = arith.mulf %mul3A_48, %slice3A_49 : vector<1x256xf32>
    %slice3A_51 = vector.extract_strided_slice %add3A_18 {offsets = [15, 0], sizes = [1, 256], strides = [1, 1]} : vector<64x256xf32> to vector<1x256xf32>
    %mul3A_52 = arith.mulf %mul3A_50, %slice3A_51 : vector<1x256xf32>
    %slice3A_53 = vector.extract_strided_slice %add3A_18 {offsets = [16, 0], sizes = [1, 256], strides = [1, 1]} : vector<64x256xf32> to vector<1x256xf32>
    %mul3A_54 = arith.mulf %mul3A_52, %slice3A_53 : vector<1x256xf32>
    %slice3A_55 = vector.extract_strided_slice %add3A_18 {offsets = [17, 0], sizes = [1, 256], strides = [1, 1]} : vector<64x256xf32> to vector<1x256xf32>
    %mul3A_56 = arith.mulf %mul3A_54, %slice3A_55 : vector<1x256xf32>
    %slice3A_57 = vector.extract_strided_slice %add3A_18 {offsets = [18, 0], sizes = [1, 256], strides = [1, 1]} : vector<64x256xf32> to vector<1x256xf32>
    %mul3A_58 = arith.mulf %mul3A_56, %slice3A_57 : vector<1x256xf32>
    %slice3A_59 = vector.extract_strided_slice %add3A_18 {offsets = [19, 0], sizes = [1, 256], strides = [1, 1]} : vector<64x256xf32> to vector<1x256xf32>
    %mul3A_60 = arith.mulf %mul3A_58, %slice3A_59 : vector<1x256xf32>
    %slice3A_61 = vector.extract_strided_slice %add3A_18 {offsets = [20, 0], sizes = [1, 256], strides = [1, 1]} : vector<64x256xf32> to vector<1x256xf32>
    %mul3A_62 = arith.mulf %mul3A_60, %slice3A_61 : vector<1x256xf32>
    %slice3A_63 = vector.extract_strided_slice %add3A_18 {offsets = [21, 0], sizes = [1, 256], strides = [1, 1]} : vector<64x256xf32> to vector<1x256xf32>
    %mul3A_64 = arith.mulf %mul3A_62, %slice3A_63 : vector<1x256xf32>
    %slice3A_65 = vector.extract_strided_slice %add3A_18 {offsets = [22, 0], sizes = [1, 256], strides = [1, 1]} : vector<64x256xf32> to vector<1x256xf32>
    %mul3A_66 = arith.mulf %mul3A_64, %slice3A_65 : vector<1x256xf32>
    %slice3A_67 = vector.extract_strided_slice %add3A_18 {offsets = [23, 0], sizes = [1, 256], strides = [1, 1]} : vector<64x256xf32> to vector<1x256xf32>
    %mul3A_68 = arith.mulf %mul3A_66, %slice3A_67 : vector<1x256xf32>
    %slice3A_69 = vector.extract_strided_slice %add3A_18 {offsets = [24, 0], sizes = [1, 256], strides = [1, 1]} : vector<64x256xf32> to vector<1x256xf32>
    %mul3A_70 = arith.mulf %mul3A_68, %slice3A_69 : vector<1x256xf32>
    %slice3A_71 = vector.extract_strided_slice %add3A_18 {offsets = [25, 0], sizes = [1, 256], strides = [1, 1]} : vector<64x256xf32> to vector<1x256xf32>
    %mul3A_72 = arith.mulf %mul3A_70, %slice3A_71 : vector<1x256xf32>
    %slice3A_73 = vector.extract_strided_slice %add3A_18 {offsets = [26, 0], sizes = [1, 256], strides = [1, 1]} : vector<64x256xf32> to vector<1x256xf32>
    %mul3A_74 = arith.mulf %mul3A_72, %slice3A_73 : vector<1x256xf32>
    %slice3A_75 = vector.extract_strided_slice %add3A_18 {offsets = [27, 0], sizes = [1, 256], strides = [1, 1]} : vector<64x256xf32> to vector<1x256xf32>
    %mul3A_76 = arith.mulf %mul3A_74, %slice3A_75 : vector<1x256xf32>
    %slice3A_77 = vector.extract_strided_slice %add3A_18 {offsets = [28, 0], sizes = [1, 256], strides = [1, 1]} : vector<64x256xf32> to vector<1x256xf32>
    %mul3A_78 = arith.mulf %mul3A_76, %slice3A_77 : vector<1x256xf32>
    %slice3A_79 = vector.extract_strided_slice %add3A_18 {offsets = [29, 0], sizes = [1, 256], strides = [1, 1]} : vector<64x256xf32> to vector<1x256xf32>
    %mul3A_80 = arith.mulf %mul3A_78, %slice3A_79 : vector<1x256xf32>
    %slice3A_81 = vector.extract_strided_slice %add3A_18 {offsets = [30, 0], sizes = [1, 256], strides = [1, 1]} : vector<64x256xf32> to vector<1x256xf32>
    %mul3A_82 = arith.mulf %mul3A_80, %slice3A_81 : vector<1x256xf32>
    %slice3A_83 = vector.extract_strided_slice %add3A_18 {offsets = [31, 0], sizes = [1, 256], strides = [1, 1]} : vector<64x256xf32> to vector<1x256xf32>
    %mul3A_84 = arith.mulf %mul3A_82, %slice3A_83 : vector<1x256xf32>
    %slice3A_85 = vector.extract_strided_slice %add3A_18 {offsets = [32, 0], sizes = [1, 256], strides = [1, 1]} : vector<64x256xf32> to vector<1x256xf32>
    %mul3A_86 = arith.mulf %mul3A_84, %slice3A_85 : vector<1x256xf32>
    %slice3A_87 = vector.extract_strided_slice %add3A_18 {offsets = [33, 0], sizes = [1, 256], strides = [1, 1]} : vector<64x256xf32> to vector<1x256xf32>
    %mul3A_88 = arith.mulf %mul3A_86, %slice3A_87 : vector<1x256xf32>
    %slice3A_89 = vector.extract_strided_slice %add3A_18 {offsets = [34, 0], sizes = [1, 256], strides = [1, 1]} : vector<64x256xf32> to vector<1x256xf32>
    %mul3A_90 = arith.mulf %mul3A_88, %slice3A_89 : vector<1x256xf32>
    %slice3A_91 = vector.extract_strided_slice %add3A_18 {offsets = [35, 0], sizes = [1, 256], strides = [1, 1]} : vector<64x256xf32> to vector<1x256xf32>
    %mul3A_92 = arith.mulf %mul3A_90, %slice3A_91 : vector<1x256xf32>
    %slice3A_93 = vector.extract_strided_slice %add3A_18 {offsets = [36, 0], sizes = [1, 256], strides = [1, 1]} : vector<64x256xf32> to vector<1x256xf32>
    %mul3A_94 = arith.mulf %mul3A_92, %slice3A_93 : vector<1x256xf32>
    %slice3A_95 = vector.extract_strided_slice %add3A_18 {offsets = [37, 0], sizes = [1, 256], strides = [1, 1]} : vector<64x256xf32> to vector<1x256xf32>
    %mul3A_96 = arith.mulf %mul3A_94, %slice3A_95 : vector<1x256xf32>
    %slice3A_97 = vector.extract_strided_slice %add3A_18 {offsets = [38, 0], sizes = [1, 256], strides = [1, 1]} : vector<64x256xf32> to vector<1x256xf32>
    %mul3A_98 = arith.mulf %mul3A_96, %slice3A_97 : vector<1x256xf32>
    %slice3A_99 = vector.extract_strided_slice %add3A_18 {offsets = [39, 0], sizes = [1, 256], strides = [1, 1]} : vector<64x256xf32> to vector<1x256xf32>
    %mul3A_100 = arith.mulf %mul3A_98, %slice3A_99 : vector<1x256xf32>
    %slice3A_101 = vector.extract_strided_slice %add3A_18 {offsets = [40, 0], sizes = [1, 256], strides = [1, 1]} : vector<64x256xf32> to vector<1x256xf32>
    %mul3A_102 = arith.mulf %mul3A_100, %slice3A_101 : vector<1x256xf32>
    %slice3A_103 = vector.extract_strided_slice %add3A_18 {offsets = [41, 0], sizes = [1, 256], strides = [1, 1]} : vector<64x256xf32> to vector<1x256xf32>
    %mul3A_104 = arith.mulf %mul3A_102, %slice3A_103 : vector<1x256xf32>
    %slice3A_105 = vector.extract_strided_slice %add3A_18 {offsets = [42, 0], sizes = [1, 256], strides = [1, 1]} : vector<64x256xf32> to vector<1x256xf32>
    %mul3A_106 = arith.mulf %mul3A_104, %slice3A_105 : vector<1x256xf32>
    %slice3A_107 = vector.extract_strided_slice %add3A_18 {offsets = [43, 0], sizes = [1, 256], strides = [1, 1]} : vector<64x256xf32> to vector<1x256xf32>
    %mul3A_108 = arith.mulf %mul3A_106, %slice3A_107 : vector<1x256xf32>
    %slice3A_109 = vector.extract_strided_slice %add3A_18 {offsets = [44, 0], sizes = [1, 256], strides = [1, 1]} : vector<64x256xf32> to vector<1x256xf32>
    %mul3A_110 = arith.mulf %mul3A_108, %slice3A_109 : vector<1x256xf32>
    %slice3A_111 = vector.extract_strided_slice %add3A_18 {offsets = [45, 0], sizes = [1, 256], strides = [1, 1]} : vector<64x256xf32> to vector<1x256xf32>
    %mul3A_112 = arith.mulf %mul3A_110, %slice3A_111 : vector<1x256xf32>
    %slice3A_113 = vector.extract_strided_slice %add3A_18 {offsets = [46, 0], sizes = [1, 256], strides = [1, 1]} : vector<64x256xf32> to vector<1x256xf32>
    %mul3A_114 = arith.mulf %mul3A_112, %slice3A_113 : vector<1x256xf32>
    %slice3A_115 = vector.extract_strided_slice %add3A_18 {offsets = [47, 0], sizes = [1, 256], strides = [1, 1]} : vector<64x256xf32> to vector<1x256xf32>
    %mul3A_116 = arith.mulf %mul3A_114, %slice3A_115 : vector<1x256xf32>
    %slice3A_117 = vector.extract_strided_slice %add3A_18 {offsets = [48, 0], sizes = [1, 256], strides = [1, 1]} : vector<64x256xf32> to vector<1x256xf32>
    %mul3A_118 = arith.mulf %mul3A_116, %slice3A_117 : vector<1x256xf32>
    %slice3A_119 = vector.extract_strided_slice %add3A_18 {offsets = [49, 0], sizes = [1, 256], strides = [1, 1]} : vector<64x256xf32> to vector<1x256xf32>
    %mul3A_120 = arith.mulf %mul3A_118, %slice3A_119 : vector<1x256xf32>
    %slice3A_121 = vector.extract_strided_slice %add3A_18 {offsets = [50, 0], sizes = [1, 256], strides = [1, 1]} : vector<64x256xf32> to vector<1x256xf32>
    %mul3A_122 = arith.mulf %mul3A_120, %slice3A_121 : vector<1x256xf32>
    %slice3A_123 = vector.extract_strided_slice %add3A_18 {offsets = [51, 0], sizes = [1, 256], strides = [1, 1]} : vector<64x256xf32> to vector<1x256xf32>
    %mul3A_124 = arith.mulf %mul3A_122, %slice3A_123 : vector<1x256xf32>
    %slice3A_125 = vector.extract_strided_slice %add3A_18 {offsets = [52, 0], sizes = [1, 256], strides = [1, 1]} : vector<64x256xf32> to vector<1x256xf32>
    %mul3A_126 = arith.mulf %mul3A_124, %slice3A_125 : vector<1x256xf32>
    %slice3A_127 = vector.extract_strided_slice %add3A_18 {offsets = [53, 0], sizes = [1, 256], strides = [1, 1]} : vector<64x256xf32> to vector<1x256xf32>
    %mul3A_128 = arith.mulf %mul3A_126, %slice3A_127 : vector<1x256xf32>
    %slice3A_129 = vector.extract_strided_slice %add3A_18 {offsets = [54, 0], sizes = [1, 256], strides = [1, 1]} : vector<64x256xf32> to vector<1x256xf32>
    %mul3A_130 = arith.mulf %mul3A_128, %slice3A_129 : vector<1x256xf32>
    %slice3A_131 = vector.extract_strided_slice %add3A_18 {offsets = [55, 0], sizes = [1, 256], strides = [1, 1]} : vector<64x256xf32> to vector<1x256xf32>
    %mul3A_132 = arith.mulf %mul3A_130, %slice3A_131 : vector<1x256xf32>
    %slice3A_133 = vector.extract_strided_slice %add3A_18 {offsets = [56, 0], sizes = [1, 256], strides = [1, 1]} : vector<64x256xf32> to vector<1x256xf32>
    %mul3A_134 = arith.mulf %mul3A_132, %slice3A_133 : vector<1x256xf32>
    %slice3A_135 = vector.extract_strided_slice %add3A_18 {offsets = [57, 0], sizes = [1, 256], strides = [1, 1]} : vector<64x256xf32> to vector<1x256xf32>
    %mul3A_136 = arith.mulf %mul3A_134, %slice3A_135 : vector<1x256xf32>
    %slice3A_137 = vector.extract_strided_slice %add3A_18 {offsets = [58, 0], sizes = [1, 256], strides = [1, 1]} : vector<64x256xf32> to vector<1x256xf32>
    %mul3A_138 = arith.mulf %mul3A_136, %slice3A_137 : vector<1x256xf32>
    %slice3A_139 = vector.extract_strided_slice %add3A_18 {offsets = [59, 0], sizes = [1, 256], strides = [1, 1]} : vector<64x256xf32> to vector<1x256xf32>
    %mul3A_140 = arith.mulf %mul3A_138, %slice3A_139 : vector<1x256xf32>
    %slice3A_141 = vector.extract_strided_slice %add3A_18 {offsets = [60, 0], sizes = [1, 256], strides = [1, 1]} : vector<64x256xf32> to vector<1x256xf32>
    %mul3A_142 = arith.mulf %mul3A_140, %slice3A_141 : vector<1x256xf32>
    %slice3A_143 = vector.extract_strided_slice %add3A_18 {offsets = [61, 0], sizes = [1, 256], strides = [1, 1]} : vector<64x256xf32> to vector<1x256xf32>
    %mul3A_144 = arith.mulf %mul3A_142, %slice3A_143 : vector<1x256xf32>
    %slice3A_145 = vector.extract_strided_slice %add3A_18 {offsets = [62, 0], sizes = [1, 256], strides = [1, 1]} : vector<64x256xf32> to vector<1x256xf32>
    %mul3A_146 = arith.mulf %mul3A_144, %slice3A_145 : vector<1x256xf32>
    %concatenate3A_147 = tpu.concatenate %broadcast_in_dim3A_20, %mul3A_22, %mul3A_24, %mul3A_26, %mul3A_28, %mul3A_30, %mul3A_32, %mul3A_34, %mul3A_36, %mul3A_38, %mul3A_40, %mul3A_42, %mul3A_44, %mul3A_46, %mul3A_48, %mul3A_50, %mul3A_52, %mul3A_54, %mul3A_56, %mul3A_58, %mul3A_60, %mul3A_62, %mul3A_64, %mul3A_66, %mul3A_68, %mul3A_70, %mul3A_72, %mul3A_74, %mul3A_76, %mul3A_78, %mul3A_80, %mul3A_82, %mul3A_84, %mul3A_86, %mul3A_88, %mul3A_90, %mul3A_92, %mul3A_94, %mul3A_96, %mul3A_98, %mul3A_100, %mul3A_102, %mul3A_104, %mul3A_106, %mul3A_108, %mul3A_110, %mul3A_112, %mul3A_114, %mul3A_116, %mul3A_118, %mul3A_120, %mul3A_122, %mul3A_124, %mul3A_126, %mul3A_128, %mul3A_130, %mul3A_132, %mul3A_134, %mul3A_136, %mul3A_138, %mul3A_140, %mul3A_142, %mul3A_144, %mul3A_146 in 0 : vector<1x256xf32>, vector<1x256xf32>, vector<1x256xf32>, vector<1x256xf32>, vector<1x256xf32>, vector<1x256xf32>, vector<1x256xf32>, vector<1x256xf32>, vector<1x256xf32>, vector<1x256xf32>, vector<1x256xf32>, vector<1x256xf32>, vector<1x256xf32>, vector<1x256xf32>, vector<1x256xf32>, vector<1x256xf32>, vector<1x256xf32>, vector<1x256xf32>, vector<1x256xf32>, vector<1x256xf32>, vector<1x256xf32>, vector<1x256xf32>, vector<1x256xf32>, vector<1x256xf32>, vector<1x256xf32>, vector<1x256xf32>, vector<1x256xf32>, vector<1x256xf32>, vector<1x256xf32>, vector<1x256xf32>, vector<1x256xf32>, vector<1x256xf32>, vector<1x256xf32>, vector<1x256xf32>, vector<1x256xf32>, vector<1x256xf32>, vector<1x256xf32>, vector<1x256xf32>, vector<1x256xf32>, vector<1x256xf32>, vector<1x256xf32>, vector<1x256xf32>, vector<1x256xf32>, vector<1x256xf32>, vector<1x256xf32>, vector<1x256xf32>, vector<1x256xf32>, vector<1x256xf32>, vector<1x256xf32>, vector<1x256xf32>, vector<1x256xf32>, vector<1x256xf32>, vector<1x256xf32>, vector<1x256xf32>, vector<1x256xf32>, vector<1x256xf32>, vector<1x256xf32>, vector<1x256xf32>, vector<1x256xf32>, vector<1x256xf32>, vector<1x256xf32>, vector<1x256xf32>, vector<1x256xf32>, vector<1x256xf32> -> vector<64x256xf32>
    %mul3A_148 = arith.mulf %sub3A_13, %concatenate3A_147 : vector<64x256xf32>
    %add3A_149 = arith.constant 9.99999974E-6 : f32
    %add3A_150 = vector.broadcast %add3A_149 : f32 to vector<64x256xf32>
    %add3A_151 = arith.addf %mul3A_148, %add3A_150 : vector<64x256xf32>
    %slice3A_152 = vector.extract_strided_slice %add3A_151 {offsets = [1, 0], sizes = [8, 256], strides = [1, 1]} : vector<64x256xf32> to vector<8x256xf32>
    %slice3A_153 = vector.extract_strided_slice %add3A_151 {offsets = [9, 0], sizes = [8, 256], strides = [1, 1]} : vector<64x256xf32> to vector<8x256xf32>
    %add3A_154 = arith.addf %slice3A_152, %slice3A_153 : vector<8x256xf32>
    %slice3A_155 = vector.extract_strided_slice %add3A_151 {offsets = [17, 0], sizes = [8, 256], strides = [1, 1]} : vector<64x256xf32> to vector<8x256xf32>
    %add3A_156 = arith.addf %add3A_154, %slice3A_155 : vector<8x256xf32>
    %slice3A_157 = vector.extract_strided_slice %add3A_151 {offsets = [25, 0], sizes = [8, 256], strides = [1, 1]} : vector<64x256xf32> to vector<8x256xf32>
    %add3A_158 = arith.addf %add3A_156, %slice3A_157 : vector<8x256xf32>
    %slice3A_159 = vector.extract_strided_slice %add3A_151 {offsets = [33, 0], sizes = [8, 256], strides = [1, 1]} : vector<64x256xf32> to vector<8x256xf32>
    %add3A_160 = arith.addf %add3A_158, %slice3A_159 : vector<8x256xf32>
    %slice3A_161 = vector.extract_strided_slice %add3A_151 {offsets = [41, 0], sizes = [8, 256], strides = [1, 1]} : vector<64x256xf32> to vector<8x256xf32>
    %add3A_162 = arith.addf %add3A_160, %slice3A_161 : vector<8x256xf32>
    %slice3A_163 = vector.extract_strided_slice %add3A_151 {offsets = [49, 0], sizes = [8, 256], strides = [1, 1]} : vector<64x256xf32> to vector<8x256xf32>
    %add3A_164 = arith.addf %add3A_162, %slice3A_163 : vector<8x256xf32>
    %slice3A_165 = vector.extract_strided_slice %add3A_151 {offsets = [57, 0], sizes = [7, 256], strides = [1, 1]} : vector<64x256xf32> to vector<7x256xf32>
    %broadcast_in_dim3A_166 = arith.constant 0.000000e+00 : f32
    %broadcast_in_dim3A_167 = vector.broadcast %broadcast_in_dim3A_166 : f32 to vector<1x256xf32>
    %concatenate3A_168 = tpu.concatenate %slice3A_165, %broadcast_in_dim3A_167 in 0 : vector<7x256xf32>, vector<1x256xf32> -> vector<8x256xf32>
    %add3A_169 = arith.addf %add3A_164, %concatenate3A_168 : vector<8x256xf32>
    %slice3A_170 = vector.extract_strided_slice %add3A_169 {offsets = [0, 0], sizes = [1, 256], strides = [1, 1]} : vector<8x256xf32> to vector<1x256xf32>
    %slice3A_171 = vector.extract_strided_slice %add3A_169 {offsets = [4, 0], sizes = [1, 256], strides = [1, 1]} : vector<8x256xf32> to vector<1x256xf32>
    %add3A_172 = arith.addf %slice3A_170, %slice3A_171 : vector<1x256xf32>
    %slice3A_173 = vector.extract_strided_slice %add3A_169 {offsets = [2, 0], sizes = [1, 256], strides = [1, 1]} : vector<8x256xf32> to vector<1x256xf32>
    %slice3A_174 = vector.extract_strided_slice %add3A_169 {offsets = [6, 0], sizes = [1, 256], strides = [1, 1]} : vector<8x256xf32> to vector<1x256xf32>
    %add3A_175 = arith.addf %slice3A_173, %slice3A_174 : vector<1x256xf32>
    %add3A_176 = arith.addf %add3A_172, %add3A_175 : vector<1x256xf32>
    %slice3A_177 = vector.extract_strided_slice %add3A_169 {offsets = [1, 0], sizes = [1, 256], strides = [1, 1]} : vector<8x256xf32> to vector<1x256xf32>
    %slice3A_178 = vector.extract_strided_slice %add3A_169 {offsets = [5, 0], sizes = [1, 256], strides = [1, 1]} : vector<8x256xf32> to vector<1x256xf32>
    %add3A_179 = arith.addf %slice3A_177, %slice3A_178 : vector<1x256xf32>
    %slice3A_180 = vector.extract_strided_slice %add3A_169 {offsets = [3, 0], sizes = [1, 256], strides = [1, 1]} : vector<8x256xf32> to vector<1x256xf32>
    %slice3A_181 = vector.extract_strided_slice %add3A_169 {offsets = [7, 0], sizes = [1, 256], strides = [1, 1]} : vector<8x256xf32> to vector<1x256xf32>
    %add3A_182 = arith.addf %slice3A_180, %slice3A_181 : vector<1x256xf32>
    %add3A_183 = arith.addf %add3A_179, %add3A_182 : vector<1x256xf32>
    %add3A_184 = arith.addf %add3A_176, %add3A_183 : vector<1x256xf32>
    %div3A = arith.constant 1.000000e+00 : f32
    %div3A_185 = vector.broadcast %div3A : f32 to vector<1x256xf32>
    %div3A_186 = arith.divf %div3A_185, %add3A_184 : vector<1x256xf32>
    %slice3A_187 = vector.extract_strided_slice %add3A_151 {offsets = [1, 0], sizes = [63, 256], strides = [1, 1]} : vector<64x256xf32> to vector<63x256xf32>
    %mul3A_188 = vector.broadcast %div3A_186 : vector<1x256xf32> to vector<63x256xf32>
    %mul3A_189 = arith.mulf %slice3A_187, %mul3A_188 : vector<63x256xf32>
    %broadcast_in_dim3A_190 = arith.constant 0.000000e+00 : f32
    %broadcast_in_dim3A_191 = vector.broadcast %broadcast_in_dim3A_190 : f32 to vector<1x256xf32>
    %slice3A_192 = vector.extract_strided_slice %mul3A_189 {offsets = [0, 0], sizes = [1, 256], strides = [1, 1]} : vector<63x256xf32> to vector<1x256xf32>
    %slice3A_193 = vector.extract_strided_slice %mul3A_189 {offsets = [1, 0], sizes = [1, 256], strides = [1, 1]} : vector<63x256xf32> to vector<1x256xf32>
    %add3A_194 = arith.addf %slice3A_192, %slice3A_193 : vector<1x256xf32>
    %slice3A_195 = vector.extract_strided_slice %mul3A_189 {offsets = [2, 0], sizes = [1, 256], strides = [1, 1]} : vector<63x256xf32> to vector<1x256xf32>
    %add3A_196 = arith.addf %add3A_194, %slice3A_195 : vector<1x256xf32>
    %slice3A_197 = vector.extract_strided_slice %mul3A_189 {offsets = [3, 0], sizes = [1, 256], strides = [1, 1]} : vector<63x256xf32> to vector<1x256xf32>
    %add3A_198 = arith.addf %add3A_196, %slice3A_197 : vector<1x256xf32>
    %slice3A_199 = vector.extract_strided_slice %mul3A_189 {offsets = [4, 0], sizes = [1, 256], strides = [1, 1]} : vector<63x256xf32> to vector<1x256xf32>
    %add3A_200 = arith.addf %add3A_198, %slice3A_199 : vector<1x256xf32>
    %slice3A_201 = vector.extract_strided_slice %mul3A_189 {offsets = [5, 0], sizes = [1, 256], strides = [1, 1]} : vector<63x256xf32> to vector<1x256xf32>
    %add3A_202 = arith.addf %add3A_200, %slice3A_201 : vector<1x256xf32>
    %slice3A_203 = vector.extract_strided_slice %mul3A_189 {offsets = [6, 0], sizes = [1, 256], strides = [1, 1]} : vector<63x256xf32> to vector<1x256xf32>
    %add3A_204 = arith.addf %add3A_202, %slice3A_203 : vector<1x256xf32>
    %slice3A_205 = vector.extract_strided_slice %mul3A_189 {offsets = [7, 0], sizes = [1, 256], strides = [1, 1]} : vector<63x256xf32> to vector<1x256xf32>
    %add3A_206 = arith.addf %add3A_204, %slice3A_205 : vector<1x256xf32>
    %slice3A_207 = vector.extract_strided_slice %mul3A_189 {offsets = [8, 0], sizes = [1, 256], strides = [1, 1]} : vector<63x256xf32> to vector<1x256xf32>
    %add3A_208 = arith.addf %add3A_206, %slice3A_207 : vector<1x256xf32>
    %slice3A_209 = vector.extract_strided_slice %mul3A_189 {offsets = [9, 0], sizes = [1, 256], strides = [1, 1]} : vector<63x256xf32> to vector<1x256xf32>
    %add3A_210 = arith.addf %add3A_208, %slice3A_209 : vector<1x256xf32>
    %slice3A_211 = vector.extract_strided_slice %mul3A_189 {offsets = [10, 0], sizes = [1, 256], strides = [1, 1]} : vector<63x256xf32> to vector<1x256xf32>
    %add3A_212 = arith.addf %add3A_210, %slice3A_211 : vector<1x256xf32>
    %slice3A_213 = vector.extract_strided_slice %mul3A_189 {offsets = [11, 0], sizes = [1, 256], strides = [1, 1]} : vector<63x256xf32> to vector<1x256xf32>
    %add3A_214 = arith.addf %add3A_212, %slice3A_213 : vector<1x256xf32>
    %slice3A_215 = vector.extract_strided_slice %mul3A_189 {offsets = [12, 0], sizes = [1, 256], strides = [1, 1]} : vector<63x256xf32> to vector<1x256xf32>
    %add3A_216 = arith.addf %add3A_214, %slice3A_215 : vector<1x256xf32>
    %slice3A_217 = vector.extract_strided_slice %mul3A_189 {offsets = [13, 0], sizes = [1, 256], strides = [1, 1]} : vector<63x256xf32> to vector<1x256xf32>
    %add3A_218 = arith.addf %add3A_216, %slice3A_217 : vector<1x256xf32>
    %slice3A_219 = vector.extract_strided_slice %mul3A_189 {offsets = [14, 0], sizes = [1, 256], strides = [1, 1]} : vector<63x256xf32> to vector<1x256xf32>
    %add3A_220 = arith.addf %add3A_218, %slice3A_219 : vector<1x256xf32>
    %slice3A_221 = vector.extract_strided_slice %mul3A_189 {offsets = [15, 0], sizes = [1, 256], strides = [1, 1]} : vector<63x256xf32> to vector<1x256xf32>
    %add3A_222 = arith.addf %add3A_220, %slice3A_221 : vector<1x256xf32>
    %slice3A_223 = vector.extract_strided_slice %mul3A_189 {offsets = [16, 0], sizes = [1, 256], strides = [1, 1]} : vector<63x256xf32> to vector<1x256xf32>
    %add3A_224 = arith.addf %add3A_222, %slice3A_223 : vector<1x256xf32>
    %slice3A_225 = vector.extract_strided_slice %mul3A_189 {offsets = [17, 0], sizes = [1, 256], strides = [1, 1]} : vector<63x256xf32> to vector<1x256xf32>
    %add3A_226 = arith.addf %add3A_224, %slice3A_225 : vector<1x256xf32>
    %slice3A_227 = vector.extract_strided_slice %mul3A_189 {offsets = [18, 0], sizes = [1, 256], strides = [1, 1]} : vector<63x256xf32> to vector<1x256xf32>
    %add3A_228 = arith.addf %add3A_226, %slice3A_227 : vector<1x256xf32>
    %slice3A_229 = vector.extract_strided_slice %mul3A_189 {offsets = [19, 0], sizes = [1, 256], strides = [1, 1]} : vector<63x256xf32> to vector<1x256xf32>
    %add3A_230 = arith.addf %add3A_228, %slice3A_229 : vector<1x256xf32>
    %slice3A_231 = vector.extract_strided_slice %mul3A_189 {offsets = [20, 0], sizes = [1, 256], strides = [1, 1]} : vector<63x256xf32> to vector<1x256xf32>
    %add3A_232 = arith.addf %add3A_230, %slice3A_231 : vector<1x256xf32>
    %slice3A_233 = vector.extract_strided_slice %mul3A_189 {offsets = [21, 0], sizes = [1, 256], strides = [1, 1]} : vector<63x256xf32> to vector<1x256xf32>
    %add3A_234 = arith.addf %add3A_232, %slice3A_233 : vector<1x256xf32>
    %slice3A_235 = vector.extract_strided_slice %mul3A_189 {offsets = [22, 0], sizes = [1, 256], strides = [1, 1]} : vector<63x256xf32> to vector<1x256xf32>
    %add3A_236 = arith.addf %add3A_234, %slice3A_235 : vector<1x256xf32>
    %slice3A_237 = vector.extract_strided_slice %mul3A_189 {offsets = [23, 0], sizes = [1, 256], strides = [1, 1]} : vector<63x256xf32> to vector<1x256xf32>
    %add3A_238 = arith.addf %add3A_236, %slice3A_237 : vector<1x256xf32>
    %slice3A_239 = vector.extract_strided_slice %mul3A_189 {offsets = [24, 0], sizes = [1, 256], strides = [1, 1]} : vector<63x256xf32> to vector<1x256xf32>
    %add3A_240 = arith.addf %add3A_238, %slice3A_239 : vector<1x256xf32>
    %slice3A_241 = vector.extract_strided_slice %mul3A_189 {offsets = [25, 0], sizes = [1, 256], strides = [1, 1]} : vector<63x256xf32> to vector<1x256xf32>
    %add3A_242 = arith.addf %add3A_240, %slice3A_241 : vector<1x256xf32>
    %slice3A_243 = vector.extract_strided_slice %mul3A_189 {offsets = [26, 0], sizes = [1, 256], strides = [1, 1]} : vector<63x256xf32> to vector<1x256xf32>
    %add3A_244 = arith.addf %add3A_242, %slice3A_243 : vector<1x256xf32>
    %slice3A_245 = vector.extract_strided_slice %mul3A_189 {offsets = [27, 0], sizes = [1, 256], strides = [1, 1]} : vector<63x256xf32> to vector<1x256xf32>
    %add3A_246 = arith.addf %add3A_244, %slice3A_245 : vector<1x256xf32>
    %slice3A_247 = vector.extract_strided_slice %mul3A_189 {offsets = [28, 0], sizes = [1, 256], strides = [1, 1]} : vector<63x256xf32> to vector<1x256xf32>
    %add3A_248 = arith.addf %add3A_246, %slice3A_247 : vector<1x256xf32>
    %slice3A_249 = vector.extract_strided_slice %mul3A_189 {offsets = [29, 0], sizes = [1, 256], strides = [1, 1]} : vector<63x256xf32> to vector<1x256xf32>
    %add3A_250 = arith.addf %add3A_248, %slice3A_249 : vector<1x256xf32>
    %slice3A_251 = vector.extract_strided_slice %mul3A_189 {offsets = [30, 0], sizes = [1, 256], strides = [1, 1]} : vector<63x256xf32> to vector<1x256xf32>
    %add3A_252 = arith.addf %add3A_250, %slice3A_251 : vector<1x256xf32>
    %slice3A_253 = vector.extract_strided_slice %mul3A_189 {offsets = [31, 0], sizes = [1, 256], strides = [1, 1]} : vector<63x256xf32> to vector<1x256xf32>
    %add3A_254 = arith.addf %add3A_252, %slice3A_253 : vector<1x256xf32>
    %slice3A_255 = vector.extract_strided_slice %mul3A_189 {offsets = [32, 0], sizes = [1, 256], strides = [1, 1]} : vector<63x256xf32> to vector<1x256xf32>
    %add3A_256 = arith.addf %add3A_254, %slice3A_255 : vector<1x256xf32>
    %slice3A_257 = vector.extract_strided_slice %mul3A_189 {offsets = [33, 0], sizes = [1, 256], strides = [1, 1]} : vector<63x256xf32> to vector<1x256xf32>
    %add3A_258 = arith.addf %add3A_256, %slice3A_257 : vector<1x256xf32>
    %slice3A_259 = vector.extract_strided_slice %mul3A_189 {offsets = [34, 0], sizes = [1, 256], strides = [1, 1]} : vector<63x256xf32> to vector<1x256xf32>
    %add3A_260 = arith.addf %add3A_258, %slice3A_259 : vector<1x256xf32>
    %slice3A_261 = vector.extract_strided_slice %mul3A_189 {offsets = [35, 0], sizes = [1, 256], strides = [1, 1]} : vector<63x256xf32> to vector<1x256xf32>
    %add3A_262 = arith.addf %add3A_260, %slice3A_261 : vector<1x256xf32>
    %slice3A_263 = vector.extract_strided_slice %mul3A_189 {offsets = [36, 0], sizes = [1, 256], strides = [1, 1]} : vector<63x256xf32> to vector<1x256xf32>
    %add3A_264 = arith.addf %add3A_262, %slice3A_263 : vector<1x256xf32>
    %slice3A_265 = vector.extract_strided_slice %mul3A_189 {offsets = [37, 0], sizes = [1, 256], strides = [1, 1]} : vector<63x256xf32> to vector<1x256xf32>
    %add3A_266 = arith.addf %add3A_264, %slice3A_265 : vector<1x256xf32>
    %slice3A_267 = vector.extract_strided_slice %mul3A_189 {offsets = [38, 0], sizes = [1, 256], strides = [1, 1]} : vector<63x256xf32> to vector<1x256xf32>
    %add3A_268 = arith.addf %add3A_266, %slice3A_267 : vector<1x256xf32>
    %slice3A_269 = vector.extract_strided_slice %mul3A_189 {offsets = [39, 0], sizes = [1, 256], strides = [1, 1]} : vector<63x256xf32> to vector<1x256xf32>
    %add3A_270 = arith.addf %add3A_268, %slice3A_269 : vector<1x256xf32>
    %slice3A_271 = vector.extract_strided_slice %mul3A_189 {offsets = [40, 0], sizes = [1, 256], strides = [1, 1]} : vector<63x256xf32> to vector<1x256xf32>
    %add3A_272 = arith.addf %add3A_270, %slice3A_271 : vector<1x256xf32>
    %slice3A_273 = vector.extract_strided_slice %mul3A_189 {offsets = [41, 0], sizes = [1, 256], strides = [1, 1]} : vector<63x256xf32> to vector<1x256xf32>
    %add3A_274 = arith.addf %add3A_272, %slice3A_273 : vector<1x256xf32>
    %slice3A_275 = vector.extract_strided_slice %mul3A_189 {offsets = [42, 0], sizes = [1, 256], strides = [1, 1]} : vector<63x256xf32> to vector<1x256xf32>
    %add3A_276 = arith.addf %add3A_274, %slice3A_275 : vector<1x256xf32>
    %slice3A_277 = vector.extract_strided_slice %mul3A_189 {offsets = [43, 0], sizes = [1, 256], strides = [1, 1]} : vector<63x256xf32> to vector<1x256xf32>
    %add3A_278 = arith.addf %add3A_276, %slice3A_277 : vector<1x256xf32>
    %slice3A_279 = vector.extract_strided_slice %mul3A_189 {offsets = [44, 0], sizes = [1, 256], strides = [1, 1]} : vector<63x256xf32> to vector<1x256xf32>
    %add3A_280 = arith.addf %add3A_278, %slice3A_279 : vector<1x256xf32>
    %slice3A_281 = vector.extract_strided_slice %mul3A_189 {offsets = [45, 0], sizes = [1, 256], strides = [1, 1]} : vector<63x256xf32> to vector<1x256xf32>
    %add3A_282 = arith.addf %add3A_280, %slice3A_281 : vector<1x256xf32>
    %slice3A_283 = vector.extract_strided_slice %mul3A_189 {offsets = [46, 0], sizes = [1, 256], strides = [1, 1]} : vector<63x256xf32> to vector<1x256xf32>
    %add3A_284 = arith.addf %add3A_282, %slice3A_283 : vector<1x256xf32>
    %slice3A_285 = vector.extract_strided_slice %mul3A_189 {offsets = [47, 0], sizes = [1, 256], strides = [1, 1]} : vector<63x256xf32> to vector<1x256xf32>
    %add3A_286 = arith.addf %add3A_284, %slice3A_285 : vector<1x256xf32>
    %slice3A_287 = vector.extract_strided_slice %mul3A_189 {offsets = [48, 0], sizes = [1, 256], strides = [1, 1]} : vector<63x256xf32> to vector<1x256xf32>
    %add3A_288 = arith.addf %add3A_286, %slice3A_287 : vector<1x256xf32>
    %slice3A_289 = vector.extract_strided_slice %mul3A_189 {offsets = [49, 0], sizes = [1, 256], strides = [1, 1]} : vector<63x256xf32> to vector<1x256xf32>
    %add3A_290 = arith.addf %add3A_288, %slice3A_289 : vector<1x256xf32>
    %slice3A_291 = vector.extract_strided_slice %mul3A_189 {offsets = [50, 0], sizes = [1, 256], strides = [1, 1]} : vector<63x256xf32> to vector<1x256xf32>
    %add3A_292 = arith.addf %add3A_290, %slice3A_291 : vector<1x256xf32>
    %slice3A_293 = vector.extract_strided_slice %mul3A_189 {offsets = [51, 0], sizes = [1, 256], strides = [1, 1]} : vector<63x256xf32> to vector<1x256xf32>
    %add3A_294 = arith.addf %add3A_292, %slice3A_293 : vector<1x256xf32>
    %slice3A_295 = vector.extract_strided_slice %mul3A_189 {offsets = [52, 0], sizes = [1, 256], strides = [1, 1]} : vector<63x256xf32> to vector<1x256xf32>
    %add3A_296 = arith.addf %add3A_294, %slice3A_295 : vector<1x256xf32>
    %slice3A_297 = vector.extract_strided_slice %mul3A_189 {offsets = [53, 0], sizes = [1, 256], strides = [1, 1]} : vector<63x256xf32> to vector<1x256xf32>
    %add3A_298 = arith.addf %add3A_296, %slice3A_297 : vector<1x256xf32>
    %slice3A_299 = vector.extract_strided_slice %mul3A_189 {offsets = [54, 0], sizes = [1, 256], strides = [1, 1]} : vector<63x256xf32> to vector<1x256xf32>
    %add3A_300 = arith.addf %add3A_298, %slice3A_299 : vector<1x256xf32>
    %slice3A_301 = vector.extract_strided_slice %mul3A_189 {offsets = [55, 0], sizes = [1, 256], strides = [1, 1]} : vector<63x256xf32> to vector<1x256xf32>
    %add3A_302 = arith.addf %add3A_300, %slice3A_301 : vector<1x256xf32>
    %slice3A_303 = vector.extract_strided_slice %mul3A_189 {offsets = [56, 0], sizes = [1, 256], strides = [1, 1]} : vector<63x256xf32> to vector<1x256xf32>
    %add3A_304 = arith.addf %add3A_302, %slice3A_303 : vector<1x256xf32>
    %slice3A_305 = vector.extract_strided_slice %mul3A_189 {offsets = [57, 0], sizes = [1, 256], strides = [1, 1]} : vector<63x256xf32> to vector<1x256xf32>
    %add3A_306 = arith.addf %add3A_304, %slice3A_305 : vector<1x256xf32>
    %slice3A_307 = vector.extract_strided_slice %mul3A_189 {offsets = [58, 0], sizes = [1, 256], strides = [1, 1]} : vector<63x256xf32> to vector<1x256xf32>
    %add3A_308 = arith.addf %add3A_306, %slice3A_307 : vector<1x256xf32>
    %slice3A_309 = vector.extract_strided_slice %mul3A_189 {offsets = [59, 0], sizes = [1, 256], strides = [1, 1]} : vector<63x256xf32> to vector<1x256xf32>
    %add3A_310 = arith.addf %add3A_308, %slice3A_309 : vector<1x256xf32>
    %slice3A_311 = vector.extract_strided_slice %mul3A_189 {offsets = [60, 0], sizes = [1, 256], strides = [1, 1]} : vector<63x256xf32> to vector<1x256xf32>
    %add3A_312 = arith.addf %add3A_310, %slice3A_311 : vector<1x256xf32>
    %slice3A_313 = vector.extract_strided_slice %mul3A_189 {offsets = [61, 0], sizes = [1, 256], strides = [1, 1]} : vector<63x256xf32> to vector<1x256xf32>
    %add3A_314 = arith.addf %add3A_312, %slice3A_313 : vector<1x256xf32>
    %slice3A_315 = vector.extract_strided_slice %mul3A_189 {offsets = [62, 0], sizes = [1, 256], strides = [1, 1]} : vector<63x256xf32> to vector<1x256xf32>
    %add3A_316 = arith.addf %add3A_314, %slice3A_315 : vector<1x256xf32>
    %concatenate3A_317 = tpu.concatenate %broadcast_in_dim3A_191, %slice3A_192, %add3A_194, %add3A_196, %add3A_198, %add3A_200, %add3A_202, %add3A_204, %add3A_206, %add3A_208, %add3A_210, %add3A_212, %add3A_214, %add3A_216, %add3A_218, %add3A_220, %add3A_222, %add3A_224, %add3A_226, %add3A_228, %add3A_230, %add3A_232, %add3A_234, %add3A_236, %add3A_238, %add3A_240, %add3A_242, %add3A_244, %add3A_246, %add3A_248, %add3A_250, %add3A_252, %add3A_254, %add3A_256, %add3A_258, %add3A_260, %add3A_262, %add3A_264, %add3A_266, %add3A_268, %add3A_270, %add3A_272, %add3A_274, %add3A_276, %add3A_278, %add3A_280, %add3A_282, %add3A_284, %add3A_286, %add3A_288, %add3A_290, %add3A_292, %add3A_294, %add3A_296, %add3A_298, %add3A_300, %add3A_302, %add3A_304, %add3A_306, %add3A_308, %add3A_310, %add3A_312, %add3A_314, %add3A_316 in 0 : vector<1x256xf32>, vector<1x256xf32>, vector<1x256xf32>, vector<1x256xf32>, vector<1x256xf32>, vector<1x256xf32>, vector<1x256xf32>, vector<1x256xf32>, vector<1x256xf32>, vector<1x256xf32>, vector<1x256xf32>, vector<1x256xf32>, vector<1x256xf32>, vector<1x256xf32>, vector<1x256xf32>, vector<1x256xf32>, vector<1x256xf32>, vector<1x256xf32>, vector<1x256xf32>, vector<1x256xf32>, vector<1x256xf32>, vector<1x256xf32>, vector<1x256xf32>, vector<1x256xf32>, vector<1x256xf32>, vector<1x256xf32>, vector<1x256xf32>, vector<1x256xf32>, vector<1x256xf32>, vector<1x256xf32>, vector<1x256xf32>, vector<1x256xf32>, vector<1x256xf32>, vector<1x256xf32>, vector<1x256xf32>, vector<1x256xf32>, vector<1x256xf32>, vector<1x256xf32>, vector<1x256xf32>, vector<1x256xf32>, vector<1x256xf32>, vector<1x256xf32>, vector<1x256xf32>, vector<1x256xf32>, vector<1x256xf32>, vector<1x256xf32>, vector<1x256xf32>, vector<1x256xf32>, vector<1x256xf32>, vector<1x256xf32>, vector<1x256xf32>, vector<1x256xf32>, vector<1x256xf32>, vector<1x256xf32>, vector<1x256xf32>, vector<1x256xf32>, vector<1x256xf32>, vector<1x256xf32>, vector<1x256xf32>, vector<1x256xf32>, vector<1x256xf32>, vector<1x256xf32>, vector<1x256xf32>, vector<1x256xf32> -> vector<64x256xf32>
    %slice3A_318 = vector.extract_strided_slice %concatenate3A_317 {offsets = [1, 0], sizes = [63, 256], strides = [1, 1]} : vector<64x256xf32> to vector<63x256xf32>
    %slice3A_319 = vector.extract_strided_slice %concatenate3A_317 {offsets = [0, 0], sizes = [63, 256], strides = [1, 1]} : vector<64x256xf32> to vector<63x256xf32>
    %sub3A_320 = arith.subf %slice3A_318, %slice3A_319 : vector<63x256xf32>
    %lt3A = arith.constant 9.99999974E-6 : f32
    %lt3A_321 = vector.broadcast %lt3A : f32 to vector<63x256xf32>
    %lt3A_322 = arith.cmpf olt, %sub3A_320, %lt3A_321 : vector<63x256xf32>
    %broadcast_in_dim3A_323 = arith.constant 1.000000e+00 : f32
    %broadcast_in_dim3A_324 = vector.broadcast %broadcast_in_dim3A_323 : f32 to vector<63x256xf32>
    %select_n3A = arith.select %lt3A_322, %broadcast_in_dim3A_324, %sub3A_320 : vector<63x256xi1>, vector<63x256xf32>
    %slice3A_325 = vector.extract_strided_slice %get3A_1 {offsets = [1, 0], sizes = [63, 256], strides = [1, 1]} : vector<64x256xf32> to vector<63x256xf32>
    %slice3A_326 = vector.extract_strided_slice %get3A_1 {offsets = [0, 0], sizes = [63, 256], strides = [1, 1]} : vector<64x256xf32> to vector<63x256xf32>
    %sub3A_327 = arith.subf %slice3A_325, %slice3A_326 : vector<63x256xf32>
    %div3A_328 = arith.divf %sub3A_327, %select_n3A : vector<63x256xf32>
    %slice3A_329 = vector.extract_strided_slice %get3A_1 {offsets = [0, 0], sizes = [63, 256], strides = [1, 1]} : vector<64x256xf32> to vector<63x256xf32>
    %slice3A_330 = vector.extract_strided_slice %concatenate3A_317 {offsets = [0, 0], sizes = [63, 256], strides = [1, 1]} : vector<64x256xf32> to vector<63x256xf32>
    %mul3A_331 = arith.mulf %div3A_328, %slice3A_330 : vector<63x256xf32>
    %sub3A_332 = arith.subf %slice3A_329, %mul3A_331 : vector<63x256xf32>
    %broadcast_in_dim3A_333 = arith.constant 0.000000e+00 : f32
    %broadcast_in_dim3A_334 = vector.broadcast %broadcast_in_dim3A_333 : f32 to vector<1x256xf32>
    %swap3A = arith.constant 0 : index
    %swap3A_335 = arith.constant 0 : index
    %swap3A_336 = vector.load %arg3[%swap3A, %swap3A_335] : memref<64x256xf32, #tpu.memory_space<vmem>>, vector<64x256xf32>
    tpu.vector_store %arg3[%swap3A, %swap3A_335], %concatenate3A_317 {strides = array<i32>} : memref<64x256xf32, #tpu.memory_space<vmem>>, vector<64x256xf32>,
    %concatenate3A_337 = tpu.concatenate %sub3A_332, %broadcast_in_dim3A_334 in 0 : vector<63x256xf32>, vector<1x256xf32> -> vector<64x256xf32>
    %swap3A_338 = arith.constant 0 : index
    %swap3A_339 = arith.constant 0 : index
    %swap3A_340 = vector.load %arg4[%swap3A_338, %swap3A_339] : memref<64x256xf32, #tpu.memory_space<vmem>>, vector<64x256xf32>
    tpu.vector_store %arg4[%swap3A_338, %swap3A_339], %concatenate3A_337 {strides = array<i32>} : memref<64x256xf32, #tpu.memory_space<vmem>>, vector<64x256xf32>,
    %concatenate3A_341 = tpu.concatenate %div3A_328, %broadcast_in_dim3A_334 in 0 : vector<63x256xf32>, vector<1x256xf32> -> vector<64x256xf32>
    %swap3A_342 = arith.constant 0 : index
    %swap3A_343 = arith.constant 0 : index
    %swap3A_344 = vector.load %arg5[%swap3A_342, %swap3A_343] : memref<64x256xf32, #tpu.memory_space<vmem>>, vector<64x256xf32>
    tpu.vector_store %arg5[%swap3A_342, %swap3A_343], %concatenate3A_341 {strides = array<i32>} : memref<64x256xf32, #tpu.memory_space<vmem>>, vector<64x256xf32>,
    return
  }
  func.func @transform_0(%arg0: i32) -> (i32, i32) {
    %c0_i32 = arith.constant 0 : i32
    %c0_i32_0 = arith.constant 0 : i32
    return %c0_i32, %arg0 : i32, i32
  }
  func.func @transform_1(%arg0: i32) -> (i32, i32) {
    %c0_i32 = arith.constant 0 : i32
    %c0_i32_0 = arith.constant 0 : i32
    return %c0_i32, %arg0 : i32, i32
  }
  func.func @transform_2(%arg0: i32) -> (i32, i32) {
    %c0_i32 = arith.constant 0 : i32
    %c0_i32_0 = arith.constant 0 : i32
    return %c0_i32, %arg0 : i32, i32
  }
  func.func @transform_3(%arg0: i32) -> (i32, i32) {
    %c0_i32 = arith.constant 0 : i32
    %c0_i32_0 = arith.constant 0 : i32
    return %c0_i32, %arg0 : i32, i32
  }
  func.func @transform_4(%arg0: i32) -> (i32, i32) {
    %c0_i32 = arith.constant 0 : i32
    %c0_i32_0 = arith.constant 0 : i32
    return %c0_i32, %arg0 : i32, i32
  }
}

</mosaic_0001>

<sc_bundles>
// kernel: kernel.4.cloned.1.call-start
scs
__scs_entry_jumppad:
0x0: {  	(pc) =	sbr.rel $0x88, $3  }
0x1: {  	(tag) =	ssettag $0x0;
	lr =	simm.s32 $0x1  }
0x2: {  	[smem:$0x3F9E] =	sst lr;
	_ =	strace $0xD0000000  }
0x3: {  	_ = 	snop  }
0x4: {  	_ = 	snop  }
0x5: {  	_ = 	snop  }
0x6: {  	_ = 	snop  }
0x7: {  	_ = 	snop  }
__scs_overlays_trampoline_lowered:
0x8: {  	[smem:$0x3FAD] =	sst s0  }
0x9: {  	[smem:$0x3FAE] =	sst s1  }
0xa: {  	[smem:$0x3FAF] =	sst s2  }
0xb: {  	[smem:$0x3FB0] =	sst s3  }
0xc: {  	[smem:$0x3FB1] =	sst s4  }
0xd: {  	[smem:$0x3FB2] =	sst s5  }
0xe: {  	[smem:$0x3FB3] =	sst s6  }
0xf: {  	[smem:$0x3FB4] =	sst s7  }
0x10: {  	[smem:$0x3FB5] =	sst s8  }
0x11: {  	[smem:$0x3FB6] =	sst s9;
	s0 =	simm.s32 @!p0 $0x0  }
0x12: {  	s1 =	sld [smem:$0x3F9C];
	s0 =	simm.s32 @p0 $0x1  }
0x13: {  	[smem:$0x3FB7] =	sst s0;
	s0 =	simm.s32 @!p1 $0x0  }
0x14: {  	s2 =	sld [smem:$0x3F9B];
	s0 =	simm.s32 @p1 $0x1  }
0x15: {  	[smem:$0x3FB8] =	sst s0;
	s0 =	simm.s32 @!p2 $0x0  }
0x16: {  	s3 =	sld [smem:$0x3FDB];
	s0 =	simm.s32 @p2 $0x1  }
0x17: {  	s4 =	simm.s32 $0x1BF5;
	[smem:$0x3FBA] =	sst s0  }
0x18: {  	s0 =	sld [smem:$0x3F9D];
	_ =	swait.ge [sflag:s4], $0x0  }
0x19: {  	s7 =	sld [smem:$0x3F9E]  }
0x1a: {  	s8 =	sadd.s32 $0xFFFFE003, lr  }
0x1b: {  	s9 =	sadd.s32 $0xFFFFFEF7, lr;
	s5 =	simm.s32 $0xFFFFFFFF;
	p2 =	slt.u32 s8, $0xFFFFF086  }
0x1c: {  	p1 =	slt.u32 s9, $0xF7A;
	s5 =	simm.s32 @!p2 $0x0  }
0x1d: {  	s5 =	simm.s32 @p1 $0x1;
	p0 =	seq.s32 s7, s2  }
0x1e: {  	s7 =	smul.u32 @!p0 $0xF7A, s2;
	p2 =	seq.s32 @!p0 s5, $0x0  }
0x1f: {  	s9 =	smul.u32 $0xF7A, s1;
	s8 =	simm.s32 @!p0 $0x1BF5;
	p2 =	por !p2, p0  }
0x20: {  	[sflag:s8] =	ssyncset.s32 @!p0 $0xFFFFF086;
	s6 =	sadd.s32 @!p0 s3, s7;
	s7 =	simm.s32 @!p0 $0x108  }
0x21: {  	s3 =	sadd.s32 s3, s9;
	s6 =	sadd.s32 @!p0 $0x88, s6;
	s7 =	simm.s32 @p2 $0x1082  }
0x22: {  	[simem:s7], [sflag:s8] =	dma.local @!p0 [hbm:s6], $0xF7A  }
0x23: {  	s9 =	sor.u32 $0xD0000000, s2;
	s6 =	simm.s32 $0x108;
	_ =	swait.ge @!p0 [sflag:s8], $0x0  }
0x24: {  	s3 =	sadd.s32 $0x88, s3;
	s6 =	simm.s32 @!p1 $0x1082;
	[sflag:s4] =	ssyncset.s32 $0xFFFFF086  }
0x25: {  	[simem:s6], [sflag:s4] =	dma.local [hbm:s3], $0xF7A  }
0x26: {  	[smem:$0x3F9E] =	sst s1;
	(tag) =	ssettag s2;
	_ =	strace s9  }
0x27: {  	s1 =	sld [smem:$0x3FAE]  }
0x28: {  	s2 =	sld [smem:$0x3FAF]  }
0x29: {  	s4 =	sld [smem:$0x3FB1]  }
0x2a: {  	p0 =	seq.s32 s5, $0x0;
	s5 =	sld [smem:$0x3FB2]  }
0x2b: {  	s6 =	sld [smem:$0x3FB3]  }
0x2c: {  	s7 =	sld [smem:$0x3FB4]  }
0x2d: {  	s3 =	simm.s32 $0x108;
	s8 =	sld [smem:$0x3FB5]  }
0x2e: {  	s3 =	simm.s32 @!p0 $0x1082;
	s9 =	sld [smem:$0x3FB6]  }
0x2f: {  	lr =	sadd.s32 s0, s3;
	s0 =	sld [smem:$0x3FAD]  }
0x30: {  	s3 =	sld [smem:$0x3FB0]  }
0x31: {  	[smem:$0x3FB9] =	sst s10  }
0x32: {  	s10 =	sld [smem:$0x3FB7];
	_ =	sdelay $0x3  }
0x33: {  	p0 =	seq.s32 s10, $0x1;
	s10 =	sld [smem:$0x3FB9];
	_ =	sdelay $0x3  }
0x34: {  	[smem:$0x3FB9] =	sst s10  }
0x35: {  	s10 =	sld [smem:$0x3FB8];
	_ =	sdelay $0x3  }
0x36: {  	p1 =	seq.s32 s10, $0x1;
	s10 =	sld [smem:$0x3FB9];
	_ =	sdelay $0x3  }
0x37: {  	[smem:$0x3FB9] =	sst s10  }
0x38: {  	s10 =	sld [smem:$0x3FBA]  }
0x39: {  	_ = 	snop;
	(pc) =	sbr.ind lr, $3  }
0x3a: {  	_ = 	snop  }
0x3b: {  	_ = 	snop  }
0x3c: {  	p2 =	seq.s32 s10, $0x1;
	s10 =	sld [smem:$0x3FB9]  }
0x3d: {  	_ =	shalt  }
0x3e: {  	_ =	shalt  }
0x3f: {  	_ =	shalt  }
0x40: {  	_ =	shalt  }
0x41: {  	_ =	shalt  }
0x42: {  	_ =	shalt  }
0x43: {  	_ =	shalt  }
0x44: {  	_ =	shalt  }
0x45: {  	_ =	shalt  }
0x46: {  	_ =	shalt  }
0x47: {  	_ =	shalt  }
0x48: {  	_ =	shalt  }
0x49: {  	_ =	shalt  }
0x4a: {  	_ =	shalt  }
0x4b: {  	_ =	shalt  }
0x4c: {  	_ =	shalt  }
0x4d: {  	_ =	shalt  }
0x4e: {  	_ =	shalt  }
0x4f: {  	_ =	shalt  }
0x50: {  	_ =	shalt  }
0x51: {  	_ =	shalt  }
0x52: {  	_ =	shalt  }
0x53: {  	_ =	shalt  }
0x54: {  	_ =	shalt  }
0x55: {  	_ =	shalt  }
0x56: {  	_ =	shalt  }
0x57: {  	_ =	shalt  }
0x58: {  	_ =	shalt  }
0x59: {  	_ =	shalt  }
0x5a: {  	_ =	shalt  }
0x5b: {  	_ =	shalt  }
0x5c: {  	_ =	shalt  }
0x5d: {  	_ =	shalt  }
0x5e: {  	_ =	shalt  }
0x5f: {  	_ =	shalt  }
0x60: {  	_ =	shalt  }
0x61: {  	_ =	shalt  }
0x62: {  	_ =	shalt  }
0x63: {  	_ =	shalt  }
0x64: {  	_ =	shalt  }
0x65: {  	_ =	shalt  }
0x66: {  	_ =	shalt  }
0x67: {  	_ =	shalt  }
0x68: {  	_ =	shalt  }
0x69: {  	_ =	shalt  }
0x6a: {  	_ =	shalt  }
0x6b: {  	_ =	shalt  }
0x6c: {  	_ =	shalt  }
0x6d: {  	_ =	shalt  }
0x6e: {  	_ =	shalt  }
0x6f: {  	_ =	shalt  }
0x70: {  	_ =	shalt  }
0x71: {  	_ =	shalt  }
0x72: {  	_ =	shalt  }
0x73: {  	_ =	shalt  }
0x74: {  	_ =	shalt  }
0x75: {  	_ =	shalt  }
0x76: {  	_ =	shalt  }
0x77: {  	_ =	shalt  }
0x78: {  	_ =	shalt  }
0x79: {  	_ =	shalt  }
0x7a: {  	_ =	shalt  }
0x7b: {  	_ =	shalt  }
0x7c: {  	_ =	shalt  }
0x7d: {  	_ =	shalt  }
0x7e: {  	_ =	shalt  }
0x7f: {  	_ =	shalt  }
0x80: {  	_ =	shalt  }
0x81: {  	_ =	shalt  }
0x82: {  	_ =	shalt  }
0x83: {  	_ =	shalt  }
0x84: {  	_ =	shalt  }
0x85: {  	_ =	shalt  }
0x86: {  	_ =	shalt  }
0x87: {  	_ =	shalt  }
.Lfunc_end0:
.L_simem_size_0:
called_computation.1_lowered:
.L_overlay_start_0:
0x88: {  	s2 =	sld [smem:$0x3FD9]  }
0x89: {  	s3 =	sld [smem:$0x3FFE];
	_ =	sdelay $0x1  }
0x8a: {  	s1 =	srdreg.scid  }
0x8b: {  	s0 =	sand.u32 $0x1, s1  }
0x8c: {  	s14 =	sshll.u32 s0, $0xA;
	s2 =	sadd.s32 s3, s2  }
0x8d: {  	s2 =	sadd.s32 s2, s14  }
0x8e: {  	[smem:$0x3FC5] =	sst s2  }
0x8f: {  	_ = 	snop  }
0x90: {  	s2 =	sld [smem:$0x3FD0];
	_ =	sdelay $0x2  }
0x91: {  	s15 =	simm.s32 $0xA;
	s4 =	simm.s32 $0x10  }
0x92: {  	[smem:s4], [sflag:s15] =	dma.local [hbm:s2], $0x1  }
0x93: {  	_ =	swait.eq [sflag:s15], $0x1  }
0x94: {  	[sflag:s15] =	ssyncset.done $0x0  }
0x95: {  	s16 =	sld [smem:$0x10];
	[sflag:s15] =	ssyncadd.s32 $0xFFFFFFFF  }
0x96: {  	s17 =	sld [smem:$0x11];
	(tm) =	ssettm $0x1  }
0x97: {  	s18 =	sld [smem:$0x3FFB];
	_ =	sdelay $0x3  }
0x98: {  	_ =	strace s18  }
0x99: {  	s4 =	sld [smem:$0x3FFC];
	_ =	sdelay $0x3  }
0x9a: {  	_ =	strace s4  }
0x9b: {  	s4 =	sld [smem:$0x3FFD];
	_ =	sdelay $0x3  }
0x9c: {  	_ =	strace s4  }
0x9d: {  	_ =	strace $0x8FFFFFFF  }
0x9e: {  	s19 =	sld [smem:$0x3FDB];
	_ =	sdelay $0x1  }
0x9f: {  	s5 =	simm.s32 $_scs_section_size  }
0xa0: {  	s6 =	simm.s32 $_size__tile_overlayer_lowered;
	s7 =	simm.s32 $_tile_overlayer_lowered  }
0xa1: {  	s22 =	simm.s32 $0x1BFF;
	s21 =	sshll.u32 s7, $0x1;
	s4 =	sadd.s32 s5, s19  }
0xa2: {  	s8 =	simm.s32 $0x0;
	s20 =	sshll.u32 s6, $0x1;
	s6 =	sadd.s32 s21, s4  }
0xa3: {  	[timem:s8], [sflag:s22] =	dma.local [hbm:s6], s20  }
0xa4: {  	_ =	swait.ge [sflag:s22], s20  }
0xa5: {  	s5 =	ssub.s32 $0x0, s20;
	[sflag:s22] =	ssyncset.done $0x0  }
0xa6: {  	[sflag:s22] =	ssyncadd.s32 s5;
	_ =	sdelay $0x1  }
0xa7: {  	s23 =	simm.s32 $0x1B8B  }
0xa8: {  	_ =	swait.ge [sflag:s23], $0x1  }
0xa9: {  	[sflag:s23] =	ssyncset.done $0x0  }
0xaa: {  	s25 =	simm.s32 $0x1B8E;
	s24 =	sld [smem:$0x3FFE];
	[sflag:s23] =	ssyncadd.s32 $0xFFFFFFFF  }
0xab: {  	s26 =	simm.s32 $execute0_lowered;
	[smem:$0x3FD2] =	sst s25  }
0xac: {  	s6 =	sshll.u32 s26, $0x1;
	_ =	strace $0x80000046;
	[dreg:$0x1] =	wrdreg $0xFFFFFFFF  }
0xad: {  	s28 =	simm.s32 $_size_execute0_lowered;
	s4 =	sadd.s32 s4, s6;
	[dreg:$0x0] =	wrdreg $0x0  }
0xae: {  	s6 =	sshll.u32 s28, $0x1;
	[dreg:$0x2] =	wrdreg s4  }
0xaf: {  	[dreg:$0x3] =	wrdreg s6  }
0xb0: {  	[dreg:$0x4] =	wrdreg $0xC0  }
0xb1: {  	_ =	task [dreg:s8], $0x5FFFF  }
0xb2: {  	[dreg:$0x1] =	wrdreg $0xFFFFFFFF  }
0xb3: {  	[dreg:$0x0] =	wrdreg $0x60  }
0xb4: {  	[dreg:$0x2] =	wrdreg s16  }
0xb5: {  	[dreg:$0x3] =	wrdreg s24  }
0xb6: {  	[dreg:$0x4] =	wrdreg s17  }
0xb7: {  	[dreg:$0x5] =	wrdreg $0x9  }
0xb8: {  	_ =	task.clear_ibuf [dreg:s8], $0x6FFFF;
	_ =	strace $0x90000046  }
0xb9: {  	s29 =	simm.s32 $0x9;
	_ =	strace $0x80000048  }
0xba: {  	_ =	swait.ge [sflag:s29], $0x1  }
0xbb: {  	[sflag:s29] =	ssyncadd.s32 $0xFFFFFFFF  }
0xbc: {  	_ =	strace $0x90000048  }
0xbd: {  	_ =	sfence  }
0xbe: {  	s30 =	sld [smem:$0x0];
	_ =	sdelay $0x2  }
0xbf: {  	s31 =	sshll.u32 s1, $0xD;
	s1 =	sshrl.u32 s1, $0x2  }
0xc0: {  	s3 =	sand.u32 $0x4000, s31;
	s1 =	sadd.s32 s1, s30  }
0xc1: {  	s0 =	sor.u32 s3, s0;
	s1 =	sshll.u32 s1, $0x11  }
0xc2: {  	s0 =	sor.u32 s1, s0  }
0xc3: {  	s0 =	sadd.s32 $0x8F2B, s0  }
0xc4: {  	[sflag:s0] =	ssyncadd.remote.s32 $0x1  }
0xc5: {  	_ =	sfence.sel $0xFFFF  }
0xc6: {  	[dreg:$0x0] =	wrdreg $0xFFFFFFFF;
	(pc) =	sbr.abs _section_cstart, $3  }
0xc7: {  	[dreg:$0x1] =	wrdreg $0xFFFFFFFF  }
0xc8: {  	_ =	task.clear_ibuf [dreg:s8], $0x2FFFF;
	_ =	strace $0x9FFFFFFF  }
0xc9: {  	(tm) =	ssettm $0x7FFFFFFF  }
tec
execute0_lowered:
.L_overlay_start_1:
0x0: {  	(tag) =	ssettag $0x1  }
0x1: {  	s1 =	rddreg [dreg:$0x0]  }
0x2: {  	s9 =	rddreg [dreg:$0x1]  }
0x3: {  	s2 =	rddreg [dreg:$0x2]  }
0x4: {  	s0 =	rddreg [dreg:$0x3];
	s3 =	simm.s32 $0x0;
	s5 =	srdreg.scid  }
0x5: {  	s15 =	simm.s32 $0x80;
	s16 =	simm.s32 $0x2080;
	s17 =	simm.s32 $0x4080  }
0x6: {  	s18 =	simm.s32 $0x6400;
	s19 =	simm.s32 $0x8400;
	s20 =	simm.s32 $0xA400  }
0x7: {  	s21 =	simm.s32 $0xC400;
	s22 =	simm.s32 $0x0;
	[smem:$0x7FF] =	sst s3  }
0x8: {  	s4 =	sadd.s32 $0xF200, s9;
	s6 =	sadd.s32 $0x8F200, s9;
	s7 =	sadd.s32 $0x3200, s9  }
0x9: {  	s10 =	sand.u32 $0x1, s5;
	s8 =	sadd.s32 $0x10F200, s9;
	s5 =	stileid.u32  }
0xa: {  	s9 =	sadd.s32 $0x10F400, s9;
	_ =	strace $0x80000047;
	s11 =	ssub.s32 $0x2, s10  }
0xb: {  	v0 =	vimm.s32 $0xF;
	v1 =	vimm.s32 $0x0;
	s13 =	sshll.u32 s5, $0xC;
	s10 =	sshll.u32 s10, $0xB;
	s12 =	sshrl.u32 s11, $0x1  }
0xc: {  	v2 =	vimm.s32 $0x1;
	v3 =	vimm.s32 $0x2;
	v4 =	vimm.s32 $0x3;
	s10 =	sor.u32 s10, s13;
	s14 =	ssub.s32 s11, s12;
	s11 =	sadd.s32 $0x80000, s2  }
0xd: {  	v5 =	vimm.s32 $0x4;
	v6 =	vimm.s32 $0x5;
	v7 =	vimm.s32 $0x7;
	s12 =	sadd.s32 $0x100000, s2;
	s13 =	smax.u32 s14, $0x1;
	s14 =	simm.s32 $0x1  }
.LBB2_1:
0xe: {  	[tilespmem:s3], [sflag:$0x1] =	stream.linear.gather [hbm4b:s8+s3], $0x80, $0x38;
	[tilespmem:$0xE400] =	vst v63  }
0xf: {  	_ =	swait.ge [sflag:s14], $0x80  }
0x10: {  	[sflag:s14] =	ssyncset.done $0x0  }
0x11: {  	s23 =	simm.s32 $0x0;
	[sflag:s14] =	ssyncadd.s32 $0xFFFFFF80  }
.LBB2_2:
0x12: {  	s24 =	sshll.u32 s23, $0x7  }
0x13: {  	s26 =	sadd.s32 s10, s24  }
0x14: {  	s24 =	sshll.u32 s26, $0x3  }
0x15: {  	s25 =	simm.s32 $0x0;
	s28 =	sadd.s32 s1, s24  }
0x16: {  	[tilespmem:s15], [sflag:$0x1] =	stream.linear.gather [hbm4b:s28+s25], $0x2000, $0x38;
	[tilespmem:$0xE400] =	vst v63  }
0x17: {  	_ =	swait.ge [sflag:s14], $0x2000  }
0x18: {  	[sflag:s14] =	ssyncset.done $0x0  }
0x19: {  	s28 =	sadd.s32 s4, s24;
	[sflag:s14] =	ssyncadd.s32 $0xFFFFE000  }
0x1a: {  	[tilespmem:s16], [sflag:$0x1] =	stream.linear.gather [hbm4b:s28+s25], $0x2000, $0x38;
	[tilespmem:$0xE400] =	vst v63  }
0x1b: {  	_ =	swait.ge [sflag:s14], $0x2000  }
0x1c: {  	[sflag:s14] =	ssyncset.done $0x0  }
0x1d: {  	s26 =	smul.u32 $0x6, s26;
	s28 =	sadd.s32 s6, s24;
	[sflag:s14] =	ssyncadd.s32 $0xFFFFE000  }
0x1e: {  	[tilespmem:s17], [sflag:$0x1] =	stream.linear.gather [hbm4b:s28+s25], $0x2000, $0x38;
	[tilespmem:$0xE400] =	vst v63  }
0x1f: {  	_ =	swait.ge [sflag:s14], $0x2000  }
0x20: {  	s26 =	sshrl.u32 s26, $0x3;
	[sflag:s14] =	ssyncset.done $0x0  }
0x21: {  	s28 =	sadd.s32 s7, s26;
	s26 =	simm.s32 $0x6080;
	[sflag:s14] =	ssyncadd.s32 $0xFFFFE000  }
0x22: {  	[tilespmem:s26], [sflag:$0x1] =	stream.linear.gather [hbm4b:s28+s25], $0x300, $0x38;
	[tilespmem:$0xE400] =	vst v63  }
0x23: {  	_ =	swait.ge [sflag:s14], $0x300  }
0x24: {  	[sflag:s14] =	ssyncset.done $0x0  }
0x25: {  	s28 =	simm.s32 $0x0;
	[sflag:s14] =	ssyncadd.s32 $0xFFFFFD00  }
.LBB2_3:
0x26: {  	s29 =	sshra.s32 s28, $0x2  }
0x27: {  	v8 =	vld [tilespmem:s29+$0x80]  }
0x28: {  	v9 =	vld [tilespmem:s29+$0x90]  }
0x29: {  	v10 =	vld [tilespmem:s29+$0xA0]  }
0x2a: {  	v28 =	vld [tilespmem:$0x0];
	_ =	sdelay $0x2  }
0x2b: {  	v11 =	vld [tilespmem:s29+$0xB0];
	v21 =	vperm.xlane v8, v0;
	v22 =	vperm.xlane v9, v0  }
0x2c: {  	v17 =	vperm.xlane v10, v0  }
0x2d: {  	vm0 =	vlt.f32 v21, v28;
	vm1 =	vlt.f32 v22, v28  }
0x2e: {  	vm11 =	vlt.f32 v17, v28;
	v12 =	vsel vm0, $0x1, v1;
	v13 =	vsel vm1, $0x1, v1  }
0x2f: {  	v27 =	vsel vm11, $0x1, v1;
	v12 =	vadd.s32 v13, v12  }
0x30: {  	v24 =	vperm.xlane v10, v7;
	v26 =	vperm.xlane v11, v7;
	v12 =	vadd.s32 v27, v12  }
0x31: {  	v23 =	vperm.xlane v9, v7;
	vm12 =	veq.s32 v12, $0x2  }
0x32: {  	v25 =	vperm.xlane v8, v7;
	vm13 =	veq.s32 v12, $0x1;
	v29 =	vsel vm12, v24, v26  }
0x33: {  	vm2 =	veq.s32 v12, $0x0;
	v13 =	vsel vm13, v23, v29  }
0x34: {  	v13 =	vsel vm2, v25, v13  }
0x35: {  	vm3 =	vlt.f32 v13, v28  }
0x36: {  	v13 =	vsel vm3, $0x8, v1  }
0x37: {  	v14 =	vor.u32 $0x3, v13  }
0x38: {  	v15 =	vperm.xlane v10, v14;
	v16 =	vperm.xlane v11, v14  }
0x39: {  	v18 =	vperm.xlane v9, v14  }
0x3a: {  	v14 =	vperm.xlane v8, v14;
	v15 =	vsel vm12, v15, v16  }
0x3b: {  	v15 =	vsel vm13, v18, v15  }
0x3c: {  	v14 =	vsel vm2, v14, v15  }
0x3d: {  	v30 =	vor.u32 $0x4, v13;
	vm14 =	vlt.f32 v14, v28  }
0x3e: {  	v13 =	vsel vm14, v30, v13  }
0x3f: {  	v14 =	vor.u32 $0x1, v13  }
0x40: {  	v31 =	vperm.xlane v10, v14;
	v32 =	vperm.xlane v11, v14  }
0x41: {  	v33 =	vperm.xlane v9, v14  }
0x42: {  	v14 =	vperm.xlane v8, v14;
	v15 =	vsel vm12, v31, v32  }
0x43: {  	v15 =	vsel vm13, v33, v15  }
0x44: {  	v14 =	vsel vm2, v14, v15  }
0x45: {  	v34 =	vor.u32 $0x2, v13;
	vm15 =	vlt.f32 v14, v28  }
0x46: {  	v14 =	vsel vm15, v34, v13  }
0x47: {  	v13 =	vperm.xlane v10, v14;
	v35 =	vperm.xlane v11, v14  }
0x48: {  	v36 =	vperm.xlane v9, v14  }
0x49: {  	v37 =	vperm.xlane v8, v14;
	v13 =	vsel vm12, v13, v35  }
0x4a: {  	v13 =	vsel vm13, v36, v13  }
0x4b: {  	v13 =	vsel vm2, v37, v13  }
0x4c: {  	vm5 =	vlt.f32 v13, v28  }
0x4d: {  	v12 =	vshll.u32 v12, $0x4;
	v13 =	vsel vm5, $0x1, v1  }
0x4e: {  	v19 =	vld [tilespmem:s29+$0x40B0];
	v12 =	vor.u32 v13, v12  }
0x4f: {  	v27 =	vperm.xlane v11, v0;
	v16 =	vld [tilespmem:s29+$0x4090];
	v14 =	vor.u32 v14, v12  }
0x50: {  	v13 =	vld [tilespmem:s29+$0x20A0];
	v38 =	vmax.u32 v14, $0x1  }
0x51: {  	vm6 =	vlt.f32 v27, v28;
	v14 =	vld [tilespmem:s29+$0x40A0];
	v15 =	vsub.s32 v38, v2  }
0x52: {  	v12 =	vld [tilespmem:s29+$0x20B0];
	v20 =	vsel vm6, $0x0, v15  }
0x53: {  	v15 =	vld [tilespmem:s29+$0x4080];
	vm0 =	vgt.u32 v20, $0xF;
	vm7 =	vgt.u32 v20, $0x1F;
	vm8 =	vgt.u32 v20, $0x2F  }
0x54: {  	v18 =	vld [tilespmem:s29+$0x2090];
	v31 =	vand.u32 $0xF, v20;
	v29 =	vsel vm0, $0x1, v1;
	v30 =	vsel vm7, $0x1, v1  }
0x55: {  	v20 =	vld [tilespmem:s29+$0x2080];
	v39 =	vsel vm8, $0x1, v1;
	v32 =	vperm.xlane v13, v31;
	v29 =	vadd.s32 v30, v29  }
0x56: {  	v33 =	vperm.xlane v19, v31;
	v40 =	vperm.xlane v14, v31;
	v29 =	vadd.s32 v39, v29  }
0x57: {  	v34 =	vperm.xlane v12, v31;
	v35 =	vperm.xlane v16, v31;
	vm9 =	veq.s32 v29, $0x2  }
0x58: {  	v36 =	vld [tilespmem:s26+$0x0];
	vm10 =	veq.s32 v29, $0x1;
	v37 =	vperm.xlane v15, v31;
	v30 =	vsel vm9, v40, v33  }
0x59: {  	v41 =	vperm.xlane v18, v31;
	vm11 =	veq.s32 v29, $0x0;
	v42 =	vsel vm10, v35, v30  }
0x5a: {  	v43 =	vperm.xlane v20, v31;
	v44 =	vsel vm9, v32, v34;
	v29 =	vsel vm11, v37, v42  }
0x5b: {  	v31 =	vsel vm10, v41, v44;
	v28 =	vmul.f32 v29, v28  }
0x5c: {  	v30 =	vsel vm11, v43, v31  }
0x5d: {  	v29 =	vperm.xlane v36, v4;
	v45 =	vadd.f32 v28, v30  }
0x5e: {  	v33 =	vperm.xlane v36, v5;
	v32 =	vperm.xlane v36, v6  }
0x5f: {  	v28 =	vperm.xlane v36, v1;
	v46 =	vmul.f32 v45, v29  }
0x60: {  	v30 =	vperm.xlane v36, v2;
	v47 =	vmul.f32 v45, v33  }
0x61: {  	v31 =	vperm.xlane v36, v3;
	v48 =	vmul.f32 v45, v32;
	v35 =	vadd.f32 v46, v28  }
0x62: {  	[tilespmem:s29+$0x6400] =	vst v45;
	v49 =	vadd.f32 v47, v30  }
0x63: {  	s30 =	sand.u32 $0x1FC0, s25;
	v50 =	vadd.f32 v48, v31;
	[tilespmem:s29+$0x8400] =	vst v35  }
0x64: {  	[tilespmem:s30+$0xA400] =	vst v49  }
0x65: {  	[tilespmem:s30+$0xC400] =	vst v50  }
0x66: {  	v34 =	vld [tilespmem:$0x10];
	_ =	sdelay $0x4  }
0x67: {  	vm12 =	vlt.f32 v21, v34;
	vm13 =	vlt.f32 v22, v34  }
0x68: {  	vm14 =	vlt.f32 v17, v34;
	v51 =	vsel vm12, $0x1, v1;
	v52 =	vsel vm13, $0x1, v1  }
0x69: {  	v53 =	vsel vm14, $0x1, v1;
	v35 =	vadd.s32 v52, v51  }
0x6a: {  	v35 =	vadd.s32 v53, v35  }
0x6b: {  	vm15 =	veq.s32 v35, $0x2  }
0x6c: {  	vm6 =	veq.s32 v35, $0x1;
	v54 =	vsel vm15, v24, v26  }
0x6d: {  	vm7 =	veq.s32 v35, $0x0;
	v36 =	vsel vm6, v23, v54  }
0x6e: {  	v36 =	vsel vm7, v25, v36  }
0x6f: {  	vm8 =	vlt.f32 v36, v34  }
0x70: {  	v36 =	vsel vm8, $0x8, v1  }
0x71: {  	v55 =	vor.u32 $0x3, v36  }
0x72: {  	v38 =	vperm.xlane v10, v55;
	v39 =	vperm.xlane v11, v55  }
0x73: {  	v40 =	vperm.xlane v9, v55  }
0x74: {  	v37 =	vperm.xlane v8, v55;
	v38 =	vsel vm15, v38, v39  }
0x75: {  	v38 =	vsel vm6, v40, v38  }
0x76: {  	v37 =	vsel vm7, v37, v38  }
0x77: {  	v56 =	vor.u32 $0x4, v36;
	vm9 =	vlt.f32 v37, v34  }
0x78: {  	v36 =	vsel vm9, v56, v36  }
0x79: {  	v37 =	vor.u32 $0x1, v36  }
0x7a: {  	v57 =	vperm.xlane v10, v37;
	v58 =	vperm.xlane v11, v37  }
0x7b: {  	v59 =	vperm.xlane v9, v37  }
0x7c: {  	v37 =	vperm.xlane v8, v37;
	v38 =	vsel vm15, v57, v58  }
0x7d: {  	v38 =	vsel vm6, v59, v38  }
0x7e: {  	v37 =	vsel vm7, v37, v38  }
0x7f: {  	v60 =	vor.u32 $0x2, v36;
	vm10 =	vlt.f32 v37, v34  }
0x80: {  	v36 =	vsel vm10, v60, v36  }
0x81: {  	v37 =	vperm.xlane v10, v36;
	v61 =	vperm.xlane v11, v36  }
0x82: {  	v62 =	vperm.xlane v9, v36  }
0x83: {  	v63 =	vperm.xlane v8, v36;
	v37 =	vsel vm15, v37, v61  }
0x84: {  	v37 =	vsel vm6, v62, v37  }
0x85: {  	v37 =	vsel vm7, v63, v37  }
0x86: {  	vm11 =	vlt.f32 v37, v34  }
0x87: {  	v35 =	vshll.u32 v35, $0x4;
	v37 =	vsel vm11, $0x1, v1  }
0x88: {  	v35 =	vor.u32 v37, v35  }
0x89: {  	v35 =	vor.u32 v36, v35  }
0x8a: {  	v35 =	vmax.u32 v35, $0x1  }
0x8b: {  	vm12 =	vlt.f32 v27, v34;
	v35 =	vsub.s32 v35, v2  }
0x8c: {  	v35 =	vsel vm12, $0x0, v35  }
0x8d: {  	vm0 =	vgt.u32 v35, $0xF;
	vm13 =	vgt.u32 v35, $0x1F;
	vm14 =	vgt.u32 v35, $0x2F  }
0x8e: {  	v35 =	vand.u32 $0xF, v35;
	v42 =	vsel vm0, $0x1, v1;
	v43 =	vsel vm13, $0x1, v1  }
0x8f: {  	v44 =	vsel vm14, $0x1, v1;
	v45 =	vperm.xlane v13, v35;
	v36 =	vadd.s32 v43, v42  }
0x90: {  	v46 =	vperm.xlane v14, v35;
	v47 =	vperm.xlane v19, v35;
	v36 =	vadd.s32 v44, v36  }
0x91: {  	v48 =	vperm.xlane v12, v35;
	v41 =	vperm.xlane v16, v35;
	vm15 =	veq.s32 v36, $0x2  }
0x92: {  	v49 =	vperm.xlane v15, v35;
	vm4 =	veq.s32 v36, $0x1;
	v37 =	vsel vm15, v46, v47  }
0x93: {  	v50 =	vperm.xlane v18, v35;
	vm5 =	veq.s32 v36, $0x0;
	v37 =	vsel vm4, v41, v37  }
0x94: {  	v35 =	vperm.xlane v20, v35;
	v51 =	vsel vm15, v45, v48;
	v37 =	vsel vm5, v49, v37  }
0x95: {  	v36 =	vsel vm4, v50, v51;
	v34 =	vmul.f32 v37, v34  }
0x96: {  	v35 =	vsel vm5, v35, v36  }
0x97: {  	v34 =	vadd.f32 v34, v35;
	_ =	sdelay $0x1  }
0x98: {  	v35 =	vmul.f32 v34, v29  }
0x99: {  	v52 =	vmul.f32 v34, v33  }
0x9a: {  	v53 =	vmul.f32 v34, v32;
	v35 =	vadd.f32 v35, v28  }
0x9b: {  	[tilespmem:s29+$0x6410] =	vst v34;
	v54 =	vadd.f32 v52, v30  }
0x9c: {  	v55 =	vadd.f32 v53, v31;
	[tilespmem:s29+$0x8410] =	vst v35  }
0x9d: {  	[tilespmem:s29+$0xA410] =	vst v54  }
0x9e: {  	[tilespmem:s29+$0xC410] =	vst v55  }
0x9f: {  	v34 =	vld [tilespmem:$0x20];
	_ =	sdelay $0x4  }
0xa0: {  	vm6 =	vlt.f32 v21, v34;
	vm7 =	vlt.f32 v22, v34  }
0xa1: {  	vm8 =	vlt.f32 v17, v34;
	v56 =	vsel vm6, $0x1, v1;
	v57 =	vsel vm7, $0x1, v1  }
0xa2: {  	v58 =	vsel vm8, $0x1, v1;
	v35 =	vadd.s32 v57, v56  }
0xa3: {  	v35 =	vadd.s32 v58, v35  }
0xa4: {  	vm9 =	veq.s32 v35, $0x2  }
0xa5: {  	vm10 =	veq.s32 v35, $0x1;
	v59 =	vsel vm9, v24, v26  }
0xa6: {  	vm11 =	veq.s32 v35, $0x0;
	v36 =	vsel vm10, v23, v59  }
0xa7: {  	v36 =	vsel vm11, v25, v36  }
0xa8: {  	vm12 =	vlt.f32 v36, v34  }
0xa9: {  	v36 =	vsel vm12, $0x8, v1  }
0xaa: {  	v60 =	vor.u32 $0x3, v36  }
0xab: {  	v61 =	vperm.xlane v10, v60;
	v62 =	vperm.xlane v11, v60  }
0xac: {  	v63 =	vperm.xlane v9, v60  }
0xad: {  	v37 =	vperm.xlane v8, v60;
	v38 =	vsel vm9, v61, v62  }
0xae: {  	v38 =	vsel vm10, v63, v38  }
0xaf: {  	v37 =	vsel vm11, v37, v38  }
0xb0: {  	v43 =	vor.u32 $0x4, v36;
	vm13 =	vlt.f32 v37, v34  }
0xb1: {  	v36 =	vsel vm13, v43, v36  }
0xb2: {  	v37 =	vor.u32 $0x1, v36  }
0xb3: {  	v44 =	vperm.xlane v10, v37;
	v45 =	vperm.xlane v11, v37  }
0xb4: {  	v46 =	vperm.xlane v9, v37  }
0xb5: {  	v37 =	vperm.xlane v8, v37;
	v38 =	vsel vm9, v44, v45  }
0xb6: {  	v38 =	vsel vm10, v46, v38  }
0xb7: {  	v37 =	vsel vm11, v37, v38  }
0xb8: {  	v47 =	vor.u32 $0x2, v36;
	vm14 =	vlt.f32 v37, v34  }
0xb9: {  	v36 =	vsel vm14, v47, v36  }
0xba: {  	v37 =	vperm.xlane v10, v36;
	v48 =	vperm.xlane v11, v36  }
0xbb: {  	v49 =	vperm.xlane v9, v36  }
0xbc: {  	v50 =	vperm.xlane v8, v36;
	v37 =	vsel vm9, v37, v48  }
0xbd: {  	v37 =	vsel vm10, v49, v37  }
0xbe: {  	v37 =	vsel vm11, v50, v37  }
0xbf: {  	vm15 =	vlt.f32 v37, v34  }
0xc0: {  	v35 =	vshll.u32 v35, $0x4;
	v37 =	vsel vm15, $0x1, v1  }
0xc1: {  	v35 =	vor.u32 v37, v35  }
0xc2: {  	v35 =	vor.u32 v36, v35  }
0xc3: {  	v35 =	vmax.u32 v35, $0x1  }
0xc4: {  	vm4 =	vlt.f32 v27, v34;
	v35 =	vsub.s32 v35, v2  }
0xc5: {  	v35 =	vsel vm4, $0x0, v35  }
0xc6: {  	vm0 =	vgt.u32 v35, $0xF;
	vm5 =	vgt.u32 v35, $0x1F;
	vm6 =	vgt.u32 v35, $0x2F  }
0xc7: {  	v35 =	vand.u32 $0xF, v35;
	v51 =	vsel vm0, $0x1, v1;
	v52 =	vsel vm5, $0x1, v1  }
0xc8: {  	v53 =	vsel vm6, $0x1, v1;
	v54 =	vperm.xlane v13, v35;
	v36 =	vadd.s32 v52, v51  }
0xc9: {  	v55 =	vperm.xlane v14, v35;
	v56 =	vperm.xlane v19, v35;
	v36 =	vadd.s32 v53, v36  }
0xca: {  	v57 =	vperm.xlane v12, v35;
	v58 =	vperm.xlane v16, v35;
	vm7 =	veq.s32 v36, $0x2  }
0xcb: {  	v59 =	vperm.xlane v15, v35;
	vm8 =	veq.s32 v36, $0x1;
	v37 =	vsel vm7, v55, v56  }
0xcc: {  	v61 =	vperm.xlane v18, v35;
	vm9 =	veq.s32 v36, $0x0;
	v60 =	vsel vm8, v58, v37  }
0xcd: {  	v35 =	vperm.xlane v20, v35;
	v38 =	vsel vm7, v54, v57;
	v36 =	vsel vm9, v59, v60  }
0xce: {  	v37 =	vsel vm8, v61, v38;
	v34 =	vmul.f32 v36, v34  }
0xcf: {  	v35 =	vsel vm9, v35, v37  }
0xd0: {  	v34 =	vadd.f32 v34, v35;
	_ =	sdelay $0x1  }
0xd1: {  	v35 =	vmul.f32 v34, v29  }
0xd2: {  	v62 =	vmul.f32 v34, v33  }
0xd3: {  	v63 =	vmul.f32 v34, v32;
	v35 =	vadd.f32 v35, v28  }
0xd4: {  	[tilespmem:s29+$0x6420] =	vst v34;
	v36 =	vadd.f32 v62, v30  }
0xd5: {  	v37 =	vadd.f32 v63, v31;
	[tilespmem:s29+$0x8420] =	vst v35  }
0xd6: {  	[tilespmem:s29+$0xA420] =	vst v36  }
0xd7: {  	[tilespmem:s29+$0xC420] =	vst v37  }
0xd8: {  	v34 =	vld [tilespmem:$0x30];
	_ =	sdelay $0x4  }
0xd9: {  	vm10 =	vlt.f32 v21, v34;
	vm11 =	vlt.f32 v22, v34  }
0xda: {  	vm12 =	vlt.f32 v17, v34;
	v21 =	vsel vm10, $0x1, v1;
	v22 =	vsel vm11, $0x1, v1  }
0xdb: {  	v39 =	vsel vm12, $0x1, v1;
	v38 =	vadd.s32 v22, v21  }
0xdc: {  	v17 =	vadd.s32 v39, v38  }
0xdd: {  	vm13 =	veq.s32 v17, $0x2  }
0xde: {  	vm14 =	veq.s32 v17, $0x1;
	v40 =	vsel vm13, v24, v26  }
0xdf: {  	vm15 =	veq.s32 v17, $0x0;
	v21 =	vsel vm14, v23, v40  }
0xe0: {  	v21 =	vsel vm15, v25, v21  }
0xe1: {  	vm6 =	vlt.f32 v21, v34  }
0xe2: {  	v21 =	vsel vm6, $0x8, v1  }
0xe3: {  	v41 =	vor.u32 $0x3, v21  }
0xe4: {  	v42 =	vperm.xlane v10, v41;
	v43 =	vperm.xlane v11, v41  }
0xe5: {  	v44 =	vperm.xlane v9, v41  }
0xe6: {  	v22 =	vperm.xlane v8, v41;
	v23 =	vsel vm13, v42, v43  }
0xe7: {  	v23 =	vsel vm14, v44, v23  }
0xe8: {  	v22 =	vsel vm15, v22, v23  }
0xe9: {  	v45 =	vor.u32 $0x4, v21;
	vm7 =	vlt.f32 v22, v34  }
0xea: {  	v21 =	vsel vm7, v45, v21  }
0xeb: {  	v22 =	vor.u32 $0x1, v21  }
0xec: {  	v46 =	vperm.xlane v10, v22;
	v47 =	vperm.xlane v11, v22  }
0xed: {  	v48 =	vperm.xlane v9, v22  }
0xee: {  	v22 =	vperm.xlane v8, v22;
	v23 =	vsel vm13, v46, v47  }
0xef: {  	v23 =	vsel vm14, v48, v23  }
0xf0: {  	v22 =	vsel vm15, v22, v23  }
0xf1: {  	v49 =	vor.u32 $0x2, v21;
	vm8 =	vlt.f32 v22, v34  }
0xf2: {  	v21 =	vsel vm8, v49, v21  }
0xf3: {  	v10 =	vperm.xlane v10, v21;
	v11 =	vperm.xlane v11, v21  }
0xf4: {  	v9 =	vperm.xlane v9, v21  }
0xf5: {  	v8 =	vperm.xlane v8, v21;
	v10 =	vsel vm13, v10, v11  }
0xf6: {  	v9 =	vsel vm14, v9, v10  }
0xf7: {  	v8 =	vsel vm15, v8, v9  }
0xf8: {  	vm9 =	vlt.f32 v8, v34  }
0xf9: {  	v50 =	vshll.u32 v17, $0x4;
	v8 =	vsel vm9, $0x1, v1  }
0xfa: {  	v8 =	vor.u32 v8, v50  }
0xfb: {  	v8 =	vor.u32 v21, v8  }
0xfc: {  	v8 =	vmax.u32 v8, $0x1  }
0xfd: {  	vm10 =	vlt.f32 v27, v34;
	v8 =	vsub.s32 v8, v2  }
0xfe: {  	v8 =	vsel vm10, $0x0, v8  }
0xff: {  	vm0 =	vgt.u32 v8, $0xF;
	vm11 =	vgt.u32 v8, $0x1F;
	vm12 =	vgt.u32 v8, $0x2F  }
0x100: {  	v8 =	vand.u32 $0xF, v8;
	v51 =	vsel vm0, $0x1, v1;
	v52 =	vsel vm11, $0x1, v1  }
0x101: {  	v53 =	vsel vm12, $0x1, v1;
	v54 =	vperm.xlane v13, v8;
	v9 =	vadd.s32 v52, v51  }
0x102: {  	v55 =	vperm.xlane v14, v8;
	v56 =	vperm.xlane v19, v8;
	v9 =	vadd.s32 v53, v9  }
0x103: {  	v12 =	vperm.xlane v12, v8;
	v57 =	vperm.xlane v16, v8;
	vm13 =	veq.s32 v9, $0x2  }
0x104: {  	v15 =	vperm.xlane v15, v8;
	vm14 =	veq.s32 v9, $0x1;
	v10 =	vsel vm13, v55, v56  }
0x105: {  	v58 =	vperm.xlane v18, v8;
	vm15 =	veq.s32 v9, $0x0;
	v59 =	vsel vm14, v57, v10  }
0x106: {  	v8 =	vperm.xlane v20, v8;
	v60 =	vsel vm13, v54, v12;
	v9 =	vsel vm15, v15, v59  }
0x107: {  	v10 =	vsel vm14, v58, v60;
	v9 =	vmul.f32 v9, v34  }
0x108: {  	v8 =	vsel vm15, v8, v10  }
0x109: {  	v8 =	vadd.f32 v9, v8;
	_ =	sdelay $0x1  }
0x10a: {  	v9 =	vmul.f32 v8, v29  }
0x10b: {  	p0 =	sne.s32 s28, $0x7F00;
	v61 =	vmul.f32 v8, v33  }
.Ltmp0:
0x10c: {  	v62 =	vmul.f32 v8, v32;
	v9 =	vadd.f32 v9, v28;
	(pc) =	sbr.rel @p0 .LBB2_3-.Ltmp0, $4  }
0x10d: {  	[tilespmem:s29+$0x6430] =	vst v8;
	v8 =	vadd.f32 v61, v30  }
0x10e: {  	v63 =	vadd.f32 v62, v31;
	[tilespmem:s29+$0x8430] =	vst v9  }
0x10f: {  	[tilespmem:s29+$0xA430] =	vst v8  }
0x110: {  	s25 =	sadd.s32 $0x40, s25;
	s28 =	sadd.s32 $0x100, s28;
	s26 =	sadd.s32 $0x6, s26;
	[tilespmem:s29+$0xC430] =	vst v63  }
0x111: {  	s25 =	sadd.s32 s9, s24  }
0x112: {  	[hbm4b:s25+s3] =	stream.linear.scatter [tilespmem:s18], [sflag:$0x1], $0x2000, $0x38;
	[tilespmem:$0xE400] =	vst v63  }
0x113: {  	_ =	swait.ge [sflag:s14], $0x2000  }
0x114: {  	[sflag:s14] =	ssyncset.done $0x0  }
0x115: {  	s29 =	sadd.s32 s2, s24;
	[sflag:s14] =	ssyncadd.s32 $0xFFFFE000  }
0x116: {  	[hbm4b:s29+s3] =	stream.linear.scatter [tilespmem:s19], [sflag:$0x1], $0x2000, $0x38;
	[tilespmem:$0xE400] =	vst v63  }
0x117: {  	_ =	swait.ge [sflag:s14], $0x2000  }
0x118: {  	[sflag:s14] =	ssyncset.done $0x0  }
0x119: {  	s30 =	sadd.s32 s24, s11;
	[sflag:s14] =	ssyncadd.s32 $0xFFFFE000  }
0x11a: {  	[hbm4b:s30+s3] =	stream.linear.scatter [tilespmem:s20], [sflag:$0x1], $0x2000, $0x38;
	[tilespmem:$0xE400] =	vst v63  }
0x11b: {  	s23 =	sadd.s32 $0x1, s23;
	_ =	swait.ge [sflag:s14], $0x2000  }
0x11c: {  	p0 =	sne.s32 s23, $0x10;
	[sflag:s14] =	ssyncset.done $0x0  }
.Ltmp1:
0x11d: {  	s31 =	sadd.s32 s24, s12;
	[sflag:s14] =	ssyncadd.s32 $0xFFFFE000;
	(pc) =	sbr.rel @p0 .LBB2_2-.Ltmp1, $4  }
0x11e: {  	[hbm4b:s31+s3] =	stream.linear.scatter [tilespmem:s21], [sflag:$0x1], $0x2000, $0x38;
	[tilespmem:$0xE400] =	vst v63  }
0x11f: {  	_ =	swait.ge [sflag:s14], $0x2000  }
0x120: {  	[sflag:s14] =	ssyncset.done $0x0  }
0x121: {  	[sflag:s14] =	ssyncadd.s32 $0xFFFFE000  }
0x122: {  	s22 =	sadd.s32 $0x1, s22  }
0x123: {  	p0 =	sne.s32 s22, s13  }
.Ltmp2:
0x124: {  	_ = 	snop;
	(pc) =	sbr.rel @p0 .LBB2_1-.Ltmp2, $1  }
0x125: {  	_ =	sdelay $0x3  }
0x126: {  	_ =	sfence.sel $0x180000  }
0x127: {  	[bflag:$0x0] =	sbarrier.arrive $0xFFFF  }
0x128: {  	p0 =	sne.s32 s5, $0x0;
	_ =	strace $0x90000047  }
0x129: {  	s0 =	sadd.s32 @!p0 $0x100000, s0;
	[bflag:$0x2] =	sbarrier.arrive $0xFFFF  }
0x12a: {  	[sflag:s0] =	ssyncadd.tile.s32 @!p0 $0x1;
	_ =	shalt  }
.Lfunc_end2:
_tile_overlayer_lowered:
.L_overlay_start_2:
0x12b: {  	(tag) =	ssettag $0x2  }
0x12c: {  	s0 =	rddreg [dreg:$0x0];
	s2 =	stileid.u32  }
0x12d: {  	s1 =	rddreg [dreg:$0x1];
	p0 =	sne.s32 s2, $0x0  }
0x12e: {  	s3 =	rddreg [dreg:$0x2];
	[bflag:$0x3] =	sbarrier.arrive $0xFFFF;
	s2 =	simm.s32 @!p0 $0x1C01  }
0x12f: {  	[timem:s3], [sflag:s2] =	dma.local @!p0 [hbm:s0], s1  }
0x130: {  	s0 =	simm.s32 @!p0 $0x1  }
0x131: {  	_ =	swait.ge @!p0 [sflag:s0], s1  }
0x132: {  	s1 =	ssub.s32 @!p0 $0x0, s1;
	[sflag:s0] =	ssyncset.done @!p0 $0x0  }
0x133: {  	[sflag:s0] =	ssyncadd.s32 @!p0 s1  }
0x134: {  	[bflag:$0x3] =	sbarrier.arrive $0xFFFF  }
0x135: {  	_ =	shalt  }

// kernel: sparse-core-data-format-call.cloned.1.call-start
scs
called_computation_lowered:
.L_overlay_start_0:
0x0: {  	s2 =	sld [smem:$0x3FD9]  }
0x1: {  	s3 =	sld [smem:$0x3FFE];
	_ =	sdelay $0x1  }
0x2: {  	s1 =	srdreg.scid  }
0x3: {  	s0 =	sand.u32 $0x1, s1  }
0x4: {  	s15 =	sshll.u32 s0, $0xA;
	s2 =	sadd.s32 s3, s2  }
0x5: {  	s2 =	sadd.s32 s2, s15  }
0x6: {  	[smem:$0x3FC5] =	sst s2  }
0x7: {  	_ = 	snop  }
0x8: {  	s2 =	sld [smem:$0x3FD0];
	_ =	sdelay $0x2  }
0x9: {  	s16 =	simm.s32 $0xA;
	s4 =	simm.s32 $0x10  }
0xa: {  	[smem:s4], [sflag:s16] =	dma.local [hbm:s2], $0x1  }
0xb: {  	_ =	swait.eq [sflag:s16], $0x1  }
0xc: {  	[sflag:s16] =	ssyncset.done $0x0  }
0xd: {  	[sflag:s16] =	ssyncadd.s32 $0xFFFFFFFF  }
0xe: {  	s17 =	sld [smem:$0x11];
	(tm) =	ssettm $0x1  }
0xf: {  	s18 =	sld [smem:$0x3FFB];
	_ =	sdelay $0x3  }
0x10: {  	_ =	strace s18  }
0x11: {  	s3 =	sld [smem:$0x3FFC];
	_ =	sdelay $0x3  }
0x12: {  	_ =	strace s3  }
0x13: {  	s3 =	sld [smem:$0x3FFD];
	_ =	sdelay $0x3  }
0x14: {  	_ =	strace s3  }
0x15: {  	_ =	strace $0x8FFFFFFF  }
0x16: {  	s19 =	sld [smem:$0x3FDB];
	_ =	sdelay $0x1  }
0x17: {  	s20 =	simm.s32 $_scs_section_size  }
0x18: {  	s5 =	simm.s32 $_size__tile_overlayer_lowered;
	s6 =	simm.s32 $_tile_overlayer_lowered  }
0x19: {  	s23 =	simm.s32 $0x1BFF;
	s22 =	sshll.u32 s6, $0x1;
	s3 =	sadd.s32 s20, s19  }
0x1a: {  	s7 =	simm.s32 $0x0;
	s21 =	sshll.u32 s5, $0x1;
	s5 =	sadd.s32 s22, s3  }
0x1b: {  	[timem:s7], [sflag:s23] =	dma.local [hbm:s5], s21  }
0x1c: {  	_ =	swait.ge [sflag:s23], s21  }
0x1d: {  	s4 =	ssub.s32 $0x0, s21;
	[sflag:s23] =	ssyncset.done $0x0  }
0x1e: {  	[sflag:s23] =	ssyncadd.s32 s4;
	_ =	sdelay $0x1  }
0x1f: {  	s24 =	simm.s32 $0x1B8B  }
0x20: {  	_ =	swait.ge [sflag:s24], $0x1  }
0x21: {  	[sflag:s24] =	ssyncset.done $0x0  }
0x22: {  	s26 =	simm.s32 $0x1B8E;
	s25 =	sld [smem:$0x3FFE];
	[sflag:s24] =	ssyncadd.s32 $0xFFFFFFFF  }
0x23: {  	s27 =	simm.s32 $execute0_lowered;
	[smem:$0x3FD2] =	sst s26  }
0x24: {  	s5 =	sshll.u32 s27, $0x1;
	_ =	strace $0x80000049;
	[dreg:$0x1] =	wrdreg $0xFFFFFFFF  }
0x25: {  	s28 =	simm.s32 $_size_execute0_lowered;
	s3 =	sadd.s32 s3, s5;
	[dreg:$0x0] =	wrdreg $0x0  }
0x26: {  	s5 =	sshll.u32 s28, $0x1;
	[dreg:$0x2] =	wrdreg s3  }
0x27: {  	[dreg:$0x3] =	wrdreg s5  }
0x28: {  	[dreg:$0x4] =	wrdreg $0xC0  }
0x29: {  	_ =	task [dreg:s7], $0x5FFFF  }
0x2a: {  	[dreg:$0x1] =	wrdreg $0xFFFFFFFF  }
0x2b: {  	[dreg:$0x0] =	wrdreg $0x60  }
0x2c: {  	[dreg:$0x2] =	wrdreg s25  }
0x2d: {  	[dreg:$0x3] =	wrdreg s17  }
0x2e: {  	[dreg:$0x4] =	wrdreg $0x9  }
0x2f: {  	_ =	task.clear_ibuf [dreg:s7], $0x5FFFF;
	_ =	strace $0x90000049  }
0x30: {  	s29 =	simm.s32 $0x9;
	_ =	strace $0x8000004B  }
0x31: {  	_ =	swait.ge [sflag:s29], $0x1  }
0x32: {  	[sflag:s29] =	ssyncadd.s32 $0xFFFFFFFF  }
0x33: {  	_ =	strace $0x9000004B  }
0x34: {  	_ =	sfence  }
0x35: {  	s30 =	sld [smem:$0x0];
	_ =	sdelay $0x2  }
0x36: {  	s31 =	sshll.u32 s1, $0xD;
	s1 =	sshrl.u32 s1, $0x2  }
0x37: {  	s3 =	sand.u32 $0x4000, s31;
	s1 =	sadd.s32 s1, s30  }
0x38: {  	s0 =	sor.u32 s3, s0;
	s1 =	sshll.u32 s1, $0x11  }
0x39: {  	s0 =	sor.u32 s1, s0  }
0x3a: {  	s0 =	sadd.s32 $0x8F2B, s0  }
0x3b: {  	[sflag:s0] =	ssyncadd.remote.s32 $0x1  }
0x3c: {  	_ =	sfence.sel $0xFFFF  }
0x3d: {  	[dreg:$0x0] =	wrdreg $0xFFFFFFFF;
	(pc) =	sbr.abs _section_cstart, $3  }
0x3e: {  	[dreg:$0x1] =	wrdreg $0xFFFFFFFF  }
0x3f: {  	_ =	task.clear_ibuf [dreg:s7], $0x2FFFF;
	_ =	strace $0x9FFFFFFF  }
0x40: {  	(tm) =	ssettm $0x7FFFFFFF  }
0x41: {  	_ =	shalt  }
tec
execute0_lowered:
.L_overlay_start_1:
0x0: {  	(tag) =	ssettag $0x1  }
0x1: {  	s0 =	srdreg.scid  }
0x2: {  	s1 =	sshll.u32 s0, $0x4  }
0x3: {  	s0 =	stileid.u32;
	s1 =	sand.u32 $0x10, s1  }
0x4: {  	s1 =	sor.u32 s0, s1  }
0x5: {  	s6 =	rddreg [dreg:$0x0];
	s4 =	simm.s32 $0x1;
	s2 =	sshll.u32 s1, $0x7  }
0x6: {  	s7 =	simm.s32 $0x2;
	s12 =	simm.s32 $0x0;
	s1 =	ssub.s32 $0x10000, s2  }
0x7: {  	s8 =	simm.s32 $0x80000;
	s13 =	simm.s32 $0x0;
	s3 =	sand.u32 $0xF80, s1  }
0x8: {  	s10 =	simm.s32 $0x0;
	s5 =	sshrl.u32 s1, $0xC;
	p0 =	sne.s32 s3, $0x0  }
.Ltmp0:
0x9: {  	s1 =	rddreg [dreg:$0x2];
	s4 =	simm.s32 @!p0 $0x0;
	(pc) =	sbr.rel .LBB1_1-.Ltmp0, $4  }
0xa: {  	s11 =	simm.s32 $0x0;
	s3 =	rddreg [dreg:$0x1];
	s5 =	sadd.s32 s4, s5  }
0xb: {  	_ =	strace $0x8000004A;
	s4 =	simm.s32 $0x1;
	s5 =	smul.u32 $0x3, s5  }
0xc: {  	s6 =	sadd.s32 $0x18F400, s6;
	s9 =	smov.u32 s2;
	[sflag:s4] =	ssyncpa.u1 $0x0  }
0xd: {  	p0 =	por $0x0, $0x0;
	[sflag:s7] =	ssyncpa.u1 $0x0;
	s7 =	sadd.s32 $0x1, s5  }
.LBB1_4:
0xe: {  	s16 =	sshll.u32 s12, $0x3;
	s17 =	sand.u32 $0x78, s12  }
0xf: {  	s13 =	sshll.u32 s13, $0x13;
	s30 =	sand.u32 $0x7E000, s12;
	s16 =	sand.u32 $0xFC00, s16  }
0x10: {  	[tilespmem:s15+$0x810 ss:$0x81] =	vst.msk $0xffff, v2;
	s31 =	sand.u32 $0x7, s12;
	s13 =	sadd.s32 s3, s13;
	s16 =	sor.u32 s17, s16  }
0x11: {  	[tilespmem:s15+$0x1020 ss:$0x81] =	vst.msk $0xffff, v0;
	s12 =	sshll.u32 s31, $0x12;
	s13 =	sadd.s32 s30, s13;
	s16 =	sshrl.u32 s16, $0x3  }
0x12: {  	[tilespmem:s15+$0x0 ss:$0x81] =	vst.msk $0xffff, v1;
	s12 =	sor.u32 $0x400, s12;
	s13 =	sadd.s32 s16, s13  }
0x13: {  	[hbm4b:s13+s12] =	stream.strided.scatter [tilespmem:s14], [sflag:$0x2], $0x2000, s8, s12, $0x20;
	[tilespmem:$0x8080] =	vst v63  }
.LBB1_5:
0x14: {  	s14 =	sadd.s32 $0x1000, s9  }
0x15: {  	s12 =	simm.s32 $0x1;
	p2 =	sgt.s32 s14, $0xFFFF  }
0x16: {  	s12 =	simm.s32 @!p2 $0x0  }
0x17: {  	s16 =	sadd.s32 s12, s10  }
0x18: {  	s14 =	smov.u32 @p2 s2;
	p2 =	sgt.s32 s16, $0x2  }
0x19: {  	s16 =	simm.s32 @p2 $0x0;
	p2 =	sne.s32 s11, s7  }
.Ltmp1:
0x1a: {  	p1 =	slt.u32 s11, $0x2;
	(pc) =	sbr.rel @!p2 .LBB1_6-.Ltmp1, $4  }
0x1b: {  	s15 =	simm.s32 @!p1 $0x2  }
0x1c: {  	s13 =	smov.u32 s10;
	p0 =	por !p0, !p0;
	_ =	swait.ge @!p1 [sflag:s15], $0x2000  }
0x1d: {  	[sflag:s15] =	ssyncset.done @!p1 $0x0;
	s12 =	smov.u32 s9;
	s9 =	smov.u32 s14  }
0x1e: {  	[sflag:s15] =	ssyncadd.s32 @!p1 $0xFFFFE000;
	s11 =	sadd.s32 $0x1, s11;
	s10 =	smov.u32 s16  }
.LBB1_1:
0x1f: {  	p1 =	sge.u32 s11, s5  }
0x20: {  	s31 =	sadd.s32 $0xFFFFFFFF, s11;
	s14 =	sxor.u32 @!p1 $0xFFFFFFFF, s11  }
0x21: {  	s15 =	sshll.u32 @!p1 s10, $0x14;
	s16 =	sshll.u32 @!p1 s9, $0x4;
	s17 =	simm.s32 @!p1 $0x80  }
0x22: {  	s14 =	sshll.u32 @!p1 s14, $0xD;
	s16 =	sand.u32 @!p1 $0xFFFF0, s16;
	s15 =	sadd.s32 @!p1 s6, s15  }
0x23: {  	s14 =	sand.u32 @!p1 $0x2000, s14;
	s15 =	sadd.s32 @!p1 s16, s15;
	s16 =	simm.s32 @!p1 $0x40  }
0x24: {  	[tilespmem:s14], [sflag:$0x1] =	stream.strided.gather @!p1 [hbm4b:s15+s16], $0x2000, s17, s16, $0x38;
	[tilespmem:$0x8080] =	vst v63  }
0x25: {  	p1 =	sge.u32 s31, s5  }
.Ltmp2:
0x26: {  	_ = 	snop;
	(pc) =	sbr.rel @p1 .LBB1_5-.Ltmp2, $1  }
0x27: {  	_ =	sdelay $0x3  }
0x28: {  	s14 =	simm.s32 $0x1  }
0x29: {  	_ =	swait.ge [sflag:s4], $0x2000;
	s14 =	simm.s32 @!p0 $0x0  }
0x2a: {  	[sflag:s4] =	ssyncset.done $0x0;
	s15 =	sshll.u32 s14, $0xD  }
0x2b: {  	[sflag:s4] =	ssyncadd.s32 $0xFFFFE000;
	s18 =	sor.u32 $0x20, s15  }
0x2c: {  	s14 =	smul.u32 $0x8100, s14;
	v3 =	vld [tilespmem:s18+$0x10]  }
0x2d: {  	s30 =	sand.u32 $0x1, s11;
	v2 =	vld [tilespmem:s18+$0xFFFFFFF0]  }
0x2e: {  	s15 =	smul.u32 $0x8100, s30;
	s14 =	sshrl.u32 s14, $0x2;
	v0 =	vld [tilespmem:s18+$0x0]  }
0x2f: {  	v1 =	vld [tilespmem:s18+$0xFFFFFFE0];
	s16 =	sor.u32 $0x4000, s14  }
0x30: {  	s31 =	sshrl.u32 s15, $0x2;
	s15 =	sadd.s32 $0x0, s16  }
0x31: {  	s17 =	simm.s32 $0x4;
	s18 =	sadd.s32 $0x40, s18;
	s14 =	sor.u32 $0x4000, s31;
	[tilespmem:s15+$0x1830 ss:$0x81] =	vst.msk $0xffff, v3  }
.LBB1_3:
0x32: {  	v3 =	vld [tilespmem:s18+$0x10];
	p1 =	sne.s32 s17, $0x1FC;
	[tilespmem:s15+$0x810 ss:$0x81] =	vst.msk $0xffff, v2;
	s19 =	smov.u32 s17;
	s17 =	sadd.s32 $0x4, s17  }
.Ltmp3:
0x33: {  	v2 =	vld [tilespmem:s18+$0xFFFFFFF0];
	[tilespmem:s15+$0x1020 ss:$0x81] =	vst.msk $0xffff, v0;
	(pc) =	sbr.rel @p1 .LBB1_3-.Ltmp3, $4  }
0x34: {  	v0 =	vld [tilespmem:s18+$0x0];
	[tilespmem:s15+$0x0 ss:$0x81] =	vst.msk $0xffff, v1  }
0x35: {  	s15 =	sshra.s32 s19, $0x2;
	v1 =	vld [tilespmem:s18+$0xFFFFFFE0]  }
0x36: {  	s15 =	sadd.s32 s15, s16  }
0x37: {  	s18 =	sadd.s32 $0x40, s18;
	[tilespmem:s15+$0x1830 ss:$0x81] =	vst.msk $0xffff, v3  }
.Ltmp4:
0x38: {  	_ = 	snop;
	(pc) =	sbr.rel .LBB1_4-.Ltmp4, $1  }
0x39: {  	_ =	sdelay $0x3  }
.LBB1_6:
0x3a: {  	_ =	sfence.sel $0x180000  }
0x3b: {  	s2 =	simm.s32 $0x1;
	[bflag:$0x0] =	sbarrier.arrive $0xFFFF  }
0x3c: {  	s31 =	simm.s32 $0x2;
	[sflag:s2] =	ssyncpa.u1 $0x1  }
0x3d: {  	[sflag:s31] =	ssyncpa.u1 $0x1  }
0x3e: {  	p0 =	sne.s32 s0, $0x0;
	_ =	strace $0x9000004A  }
0x3f: {  	s0 =	sadd.s32 @!p0 $0x100000, s1;
	[bflag:$0x2] =	sbarrier.arrive $0xFFFF  }
0x40: {  	[sflag:s0] =	ssyncadd.tile.s32 @!p0 $0x1;
	_ =	shalt  }
.Lfunc_end1:
_tile_overlayer_lowered:
.L_overlay_start_2:
0x41: {  	(tag) =	ssettag $0x2  }
0x42: {  	s0 =	rddreg [dreg:$0x0];
	s2 =	stileid.u32  }
0x43: {  	s1 =	rddreg [dreg:$0x1];
	p0 =	sne.s32 s2, $0x0  }
0x44: {  	s3 =	rddreg [dreg:$0x2];
	[bflag:$0x3] =	sbarrier.arrive $0xFFFF;
	s2 =	simm.s32 @!p0 $0x1C01  }
0x45: {  	[timem:s3], [sflag:s2] =	dma.local @!p0 [hbm:s0], s1  }
0x46: {  	s0 =	simm.s32 @!p0 $0x1  }
0x47: {  	_ =	swait.ge @!p0 [sflag:s0], s1  }
0x48: {  	s1 =	ssub.s32 @!p0 $0x0, s1;
	[sflag:s0] =	ssyncset.done @!p0 $0x0  }
0x49: {  	[sflag:s0] =	ssyncadd.s32 @!p0 s1  }
0x4a: {  	[bflag:$0x3] =	sbarrier.arrive $0xFFFF  }
0x4b: {  	_ =	shalt  }

</sc_bundles>
